<compile_context>
chip_gen: v7x
topology: tpu7x:2x2x1
jax: 0.10.2.dev20260603
libtpu: 0.0.44.dev20260713+nightly
codegen_flags: <defaults>
</compile_context>

<pallas_src>
import functools

import jax
import jax.numpy as jnp
from jax import lax
from jax.experimental import pallas as pl
from jax.experimental.pallas import tpu as pltpu
from jax.experimental.pallas import tpu_sc as plsc

N = 10000
E = 320000
D = 128
H = 128
NS = 100

NC = 2
NSC = 16
NW = NC * NSC
CH = 112
NCH = 90
NPAIR = NCH // 2
EPW = NCH * CH
EPAD = NW * EPW
NCH0 = 112
NCH1 = 68
EPW0 = NCH0 * CH
EPW1 = NCH1 * CH
NP = 10112
NPT = NP // NSC

_MESH = dict(core_axis_name="c", subcore_axis_name="s", num_cores=NC,
             num_subcores=NSC)



@functools.partial(
    pl.kernel,
    out_type=jax.ShapeDtypeStruct((NC, NP, H), jnp.float32),
    mesh=plsc.VectorSubcoreMesh(**_MESH),
    scratch_types=[
        pltpu.VMEM((NCH, CH), jnp.int32),
        pltpu.VMEM((CH, H), jnp.float32),
        pltpu.VMEM_SHARED((NP, H), jnp.float32),
        pltpu.SemaphoreType.DMA,
    ],
)
def _sc_degree(dst3_hbm, ones_hbm, zeros_hbm, out_hbm, didx_v, ones_v,
               deg_sh, sem):
    c = lax.axis_index("c")
    s = lax.axis_index("s")
    wid = s * NC + c
    pltpu.sync_copy(ones_hbm, ones_v)
    pltpu.sync_copy(dst3_hbm.at[wid], didx_v)
    pltpu.sync_copy(zeros_hbm.at[pl.ds(s * NPT, NPT)],
                    deg_sh.at[pl.ds(s * NPT, NPT)])
    plsc.subcore_barrier()

    def group(g, carry):
        def fire(i, carry):
            pltpu.async_copy(ones_v, deg_sh.at[didx_v.at[g * 6 + i]], sem,
                             add=True)
            return carry
        lax.fori_loop(0, 6, fire, 0)
        def drain(i, carry):
            pltpu.make_async_copy(ones_hbm, ones_v, sem).wait()
            return carry
        lax.fori_loop(0, 6, drain, 0)
        return carry

    lax.fori_loop(0, NCH // 6, group, 0)
    plsc.subcore_barrier()
    pltpu.sync_copy(deg_sh.at[pl.ds(s * NPT, NPT)],
                    out_hbm.at[c, pl.ds(s * NPT, NPT)])


@functools.partial(
    pl.kernel,
    out_type=jax.ShapeDtypeStruct((NC, NP, H), jnp.float32),
    mesh=plsc.VectorSubcoreMesh(**_MESH),
    scratch_types=[
        pltpu.VMEM((CH,), jnp.int32),
        pltpu.VMEM((CH,), jnp.int32),
        pltpu.VMEM((CH,), jnp.int32),
        pltpu.VMEM((CH,), jnp.int32),
        pltpu.VMEM((CH, H), jnp.float32),
        pltpu.VMEM((CH, H), jnp.float32),
        pltpu.VMEM_SHARED((NP, H), jnp.float32),
        pltpu.SemaphoreType.DMA,
        pltpu.SemaphoreType.DMA,
    ],
)
def _sc_propagate(table_hbm, src_hbm, dst_hbm, zeros_hbm, out_hbm,
                  sidx0, didx0, sidx1, didx1, rows0, rows1, acc_sh,
                  sem0, sem1):
    c = lax.axis_index("c")
    s = lax.axis_index("s")
    pltpu.sync_copy(zeros_hbm.at[pl.ds(s * NPT, NPT)],
                    acc_sh.at[pl.ds(s * NPT, NPT)])
    plsc.subcore_barrier()

    def run(base, npair):
        pltpu.sync_copy(src_hbm.at[pl.ds(base, CH)], sidx0)
        pltpu.sync_copy(dst_hbm.at[pl.ds(base, CH)], didx0)
        pltpu.async_copy(table_hbm.at[sidx0], rows0, sem0)

        def body(g, carry):
            off1 = base + (2 * g + 1) * CH
            pltpu.sync_copy(src_hbm.at[pl.ds(off1, CH)], sidx1)
            pltpu.sync_copy(dst_hbm.at[pl.ds(off1, CH)], didx1)
            pltpu.async_copy(table_hbm.at[sidx1], rows1, sem1)

            pltpu.make_async_copy(table_hbm.at[sidx0], rows0, sem0).wait()
            pltpu.sync_copy(rows0, acc_sh.at[didx0], add=True)

            @pl.when(g + 1 < npair)
            def _():
                off2 = base + (2 * g + 2) * CH
                pltpu.sync_copy(src_hbm.at[pl.ds(off2, CH)], sidx0)
                pltpu.sync_copy(dst_hbm.at[pl.ds(off2, CH)], didx0)
                pltpu.async_copy(table_hbm.at[sidx0], rows0, sem0)

            pltpu.make_async_copy(table_hbm.at[sidx1], rows1, sem1).wait()
            pltpu.sync_copy(rows1, acc_sh.at[didx1], add=True)
            return carry

        lax.fori_loop(0, npair, body, 0)

    @pl.when(c == 0)
    def _():
        run(s * EPW0, NCH0 // 2)

    @pl.when(c == 1)
    def _():
        run(NSC * EPW0 + s * EPW1, NCH1 // 2)

    plsc.subcore_barrier()
    pltpu.sync_copy(acc_sh.at[pl.ds(s * NPT, NPT)],
                    out_hbm.at[c, pl.ds(s * NPT, NPT)])



GRID_R = 10
BR = N // GRID_R


def _dinv_block(degp_ref):
    deg = degp_ref[0][:, 0:1] + degp_ref[1][:, 0:1] + 1.0
    return lax.rsqrt(deg)


def _mm1_body(degp_ref, x_ref, w1_ref, o_ref):
    dinv = _dinv_block(degp_ref)
    o_ref[...] = dinv * jnp.dot(x_ref[...], w1_ref[...],
                                preferred_element_type=jnp.float32)


def _mm2_body(degp_ref, p_ref, s1_ref, b1_ref, w2_ref, o_ref):
    dinv = _dinv_block(degp_ref)
    t = p_ref[0] + p_ref[1] + s1_ref[...]
    h1 = jnp.maximum(dinv * t + b1_ref[...], 0.0)
    o_ref[...] = dinv * jnp.dot(h1, w2_ref[...],
                                preferred_element_type=jnp.float32)


def _mm3_body(degp_ref, p_ref, s2_ref, b2_ref, o_ref):
    dinv = _dinv_block(degp_ref)
    o_ref[...] = dinv * (p_ref[0] + p_ref[1] + s2_ref[...]) + b2_ref[...]


def _mm4_body(f_ref, wa_ref, ba_ref, o_ref):
    k = pl.program_id(0)

    @pl.when(k == 0)
    def _():
        o_ref[...] = jnp.zeros_like(o_ref) + ba_ref[...]

    o_ref[...] += jnp.dot(f_ref[...], wa_ref[...],
                          preferred_element_type=jnp.float32)


def _mm1(degp, x, W1):
    return pl.pallas_call(
        _mm1_body,
        grid=(GRID_R,),
        in_specs=[
            pl.BlockSpec((NC, BR, H), lambda i: (0, i, 0)),
            pl.BlockSpec((BR, D), lambda i: (i, 0)),
            pl.BlockSpec((D, H), lambda i: (0, 0)),
        ],
        out_specs=pl.BlockSpec((BR, H), lambda i: (i, 0)),
        out_shape=jax.ShapeDtypeStruct((N, H), jnp.float32),
    )(degp, x, W1)


def _mm2(degp, parts, S1, b1, W2):
    return pl.pallas_call(
        _mm2_body,
        grid=(GRID_R,),
        in_specs=[
            pl.BlockSpec((NC, BR, H), lambda i: (0, i, 0)),
            pl.BlockSpec((NC, BR, H), lambda i: (0, i, 0)),
            pl.BlockSpec((BR, H), lambda i: (i, 0)),
            pl.BlockSpec((1, H), lambda i: (0, 0)),
            pl.BlockSpec((H, H), lambda i: (0, 0)),
        ],
        out_specs=pl.BlockSpec((BR, H), lambda i: (i, 0)),
        out_shape=jax.ShapeDtypeStruct((N, H), jnp.float32),
    )(degp, parts, S1, b1, W2)


def _mm3(degp, parts, S2, b2):
    return pl.pallas_call(
        _mm3_body,
        grid=(GRID_R,),
        in_specs=[
            pl.BlockSpec((NC, BR, H), lambda i: (0, i, 0)),
            pl.BlockSpec((NC, BR, H), lambda i: (0, i, 0)),
            pl.BlockSpec((BR, H), lambda i: (i, 0)),
            pl.BlockSpec((1, H), lambda i: (0, 0)),
        ],
        out_specs=pl.BlockSpec((BR, H), lambda i: (i, 0)),
        out_shape=jax.ShapeDtypeStruct((N, H), jnp.float32),
    )(degp, parts, S2, b2)


GRID_K = 10
BK = NS * H // GRID_K


def _mm4(flat, Wa, ba):
    return pl.pallas_call(
        _mm4_body,
        grid=(GRID_K,),
        in_specs=[
            pl.BlockSpec((N // NS, BK), lambda k: (0, k)),
            pl.BlockSpec((BK, H), lambda k: (k, 0)),
            pl.BlockSpec((1, H), lambda k: (0, 0)),
        ],
        out_specs=pl.BlockSpec((N // NS, H), lambda k: (0, 0)),
        out_shape=jax.ShapeDtypeStruct((N // NS, H), jnp.float32),
    )(flat, Wa, ba)



def kernel(x, edge_index, W1, b1, W2, b2, Wa, ba):
    pad = EPAD - E
    src = jnp.concatenate([edge_index[0], jnp.zeros((pad,), jnp.int32)])
    dst = jnp.concatenate([edge_index[1], jnp.full((pad,), N, jnp.int32)])
    zeros_nh = jnp.zeros((NP, H), jnp.float32)
    ones_ch = jnp.ones((CH, H), jnp.float32)

    degp = _sc_degree(dst.reshape(NW, NCH, CH), ones_ch, zeros_nh)
    S1 = _mm1(degp, x, W1)
    P1 = _sc_propagate(S1, src, dst, zeros_nh)
    S2 = _mm2(degp, P1, S1, b1.reshape(1, H), W2)
    P2 = _sc_propagate(S2, src, dst, zeros_nh)
    emb = _mm3(degp, P2, S2, b2.reshape(1, H))
    flat = emb.reshape(N // NS, NS * H)
    cell = _mm4(flat, Wa, ba.reshape(1, H))
    return (cell, emb)

# --- scband reference (transcript-rebuilt; emitter-appended) ---
"""Pipeline reference for scband-gene-encoder-70076686401663 (READ-ONLY COPY).

The authoritative reference and input builder live on the scoring server;
editing this copy changes nothing except your own understanding.
"""

import jax, jax.numpy as jnp
import numpy as np

N = 10000
E = 320000
D = 128
H = 128
NV = 100
NS = 100


def setup_inputs(seed: int = 0) -> dict:
    key = jax.random.key(seed)
    ks = jax.random.split(key, 8)
    x = jax.random.normal(ks[0], (N, D), dtype=jnp.float32)
    edge_index = jax.random.randint(ks[1], (2, E), 0, N, dtype=jnp.int32)
    W1 = jax.random.normal(ks[2], (D, H), dtype=jnp.float32) * (1.0 / np.sqrt(D))
    b1 = jnp.zeros((H,), dtype=jnp.float32)
    W2 = jax.random.normal(ks[3], (H, H), dtype=jnp.float32) * (1.0 / np.sqrt(H))
    b2 = jnp.zeros((H,), dtype=jnp.float32)
    Wa = jax.random.normal(ks[4], (NS * H, H), dtype=jnp.float32) * (1.0 / np.sqrt(NS * H))
    ba = jnp.zeros((H,), dtype=jnp.float32)
    return {"x": x, "edge_index": edge_index, "W1": W1, "b1": b1, "W2": W2, "b2": b2, "Wa": Wa, "ba": ba}


def _gcn_conv(x, edge_index, W, b):
    # PyG GCNConv: x' = D^{-1/2} (A + I) D^{-1/2} X W + b
    h = x @ W
    src = edge_index[0]
    dst = edge_index[1]
    loop = jnp.arange(N, dtype=src.dtype)
    src = jnp.concatenate([src, loop])
    dst = jnp.concatenate([dst, loop])
    deg = jnp.zeros((N,), dtype=h.dtype).at[dst].add(1.0)
    dinv = jax.lax.rsqrt(jnp.maximum(deg, 1e-12))
    norm = dinv[src] * dinv[dst]
    msg = h[src] * norm[:, None]
    out = jnp.zeros_like(h).at[dst].add(msg)
    return out + b


def reference(x, edge_index, W1, b1, W2, b2, Wa, ba):
    # embed(): conv1 -> relu -> (dropout is identity in eval / is_training=False) -> conv2
    h = _gcn_conv(x, edge_index, W1, b1)
    h = jax.nn.relu(h)
    emb = _gcn_conv(h, edge_index, W2, b2)
    # gene -> cell aggregation: reshape [N, H] -> [N/NS, NS*H] then linear
    flat = emb.reshape(emb.shape[0] // NS, emb.shape[1] * NS)
    cell = flat @ Wa + ba
    return (cell, emb)

if __name__ == "__main__":
    import jax
    _d = setup_inputs()
    print(jax.jit(kernel)(*tuple(_d.values())))

</pallas_src>

<mosaic_0001>
#map = affine_map<(d0, d1) -> (0, 0)>
#map1 = affine_map<(d0, d1) -> (0)>
#map2 = affine_map<(d0, d1) -> (0, 0, 0)>
module attributes {stable_mosaic.version = 14 : i64} {
  func.func @_sc_propagate(%arg0: i32, %arg1: i32, %arg2: memref<10000x128xf32, #tpu.memory_space<hbm>>, %arg3: memref<322560xi32, #tpu.memory_space<hbm>>, %arg4: memref<322560xi32, #tpu.memory_space<hbm>>, %arg5: memref<10112x128xf32, #tpu.memory_space<hbm>>, %arg6: memref<2x10112x128xf32, #tpu.memory_space<hbm>>, %arg7: memref<112xi32, #tpu.memory_space<vmem>>, %arg8: memref<112xi32, #tpu.memory_space<vmem>>, %arg9: memref<112xi32, #tpu.memory_space<vmem>>, %arg10: memref<112xi32, #tpu.memory_space<vmem>>, %arg11: memref<112x128xf32, #tpu.memory_space<vmem>>, %arg12: memref<112x128xf32, #tpu.memory_space<vmem>>, %arg13: memref<10112x128xf32, #tpu.memory_space<vmem_shared>>, %arg14: memref<!tpu.dma_semaphore, #tpu.memory_space<semaphore_mem>>, %arg15: memref<!tpu.dma_semaphore, #tpu.memory_space<semaphore_mem>>) attributes {dimension_semantics = [#tpu.dimension_semantics<core_parallel>, #tpu.dimension_semantics<subcore_parallel>], iteration_bounds = array<i64: 2, 16>, scalar_prefetch = 0 : i64, scratch_operands = 9 : i64, tpu.core_type = #tpu.core_type<sc_vector_subcore>, window_params = [{transform_indices = #map}, {transform_indices = #map1}, {transform_indices = #map1}, {transform_indices = #map}, {transform_indices = #map2}]} {
    %mul3A = arith.constant 632 : i32
    %mul3A_0 = arith.muli %arg1, %mul3A : i32
    %mul3A_1 = arith.constant 632 : i32
    %mul3A_2 = arith.muli %arg1, %mul3A_1 : i32
    "tpu.region"() ({
      %run_scoped3A = tpu.sem_alloc : memref<!tpu.dma_semaphore, #tpu.memory_space<semaphore_mem>>
      %dma_start3A = arith.constant 0 : i32
      %dma_start3A_15 = tpu.memref_slice %arg13[%mul3A_2, %dma_start3A] : memref<10112x128xf32, #tpu.memory_space<vmem_shared>> -> memref<632x128xf32, #tpu.memory_space<vmem_shared>>
      %dma_start3A_16 = arith.constant 0 : i32
      %dma_start3A_17 = tpu.memref_slice %arg5[%mul3A_0, %dma_start3A_16] : memref<10112x128xf32, #tpu.memory_space<hbm>> -> memref<632x128xf32, #tpu.memory_space<hbm>>
      tpu.enqueue_dma source(%dma_start3A_17 : memref<632x128xf32, #tpu.memory_space<hbm>>) target(%dma_start3A_15 : memref<632x128xf32, #tpu.memory_space<vmem_shared>>) target_semaphore(%run_scoped3A : memref<!tpu.dma_semaphore, #tpu.memory_space<semaphore_mem>>)
      %dma_wait3A = arith.constant 0 : i32
      %dma_wait3A_18 = tpu.memref_slice %arg13[%mul3A_2, %dma_wait3A] : memref<10112x128xf32, #tpu.memory_space<vmem_shared>> -> memref<632x128xf32, #tpu.memory_space<vmem_shared>>
      %dma_wait3A_19 = arith.constant 0 : i32
      %dma_wait3A_20 = tpu.memref_slice %arg5[%mul3A_0, %dma_wait3A_19] : memref<10112x128xf32, #tpu.memory_space<hbm>> -> memref<632x128xf32, #tpu.memory_space<hbm>>
      tpu.wait_dma2 semaphore(%run_scoped3A : memref<!tpu.dma_semaphore, #tpu.memory_space<semaphore_mem>>) src(%dma_wait3A_20 : memref<632x128xf32, #tpu.memory_space<hbm>>) dst(%dma_wait3A_18 : memref<632x128xf32, #tpu.memory_space<vmem_shared>>)
      tpu.yield
    }) : () -> ()
    %barrier3A = arith.constant 0 : index
    tpu.barrier barrier_id(%barrier3A)
    %eq3A = arith.constant 0 : i32
    %eq3A_3 = arith.cmpi eq, %arg0, %eq3A : i32
    %convert_element_type3A = arith.extui %eq3A_3 : i1 to i32
    %cond3A = arith.constant 0 : i32
    %cond3A_4 = arith.cmpi ne, %convert_element_type3A, %cond3A : i32
    scf.if %cond3A_4 {
      %mul3A_15 = arith.constant 12544 : i32
      %mul3A_16 = arith.muli %arg1, %mul3A_15 : i32
      "tpu.region"() ({
        %run_scoped3A = tpu.sem_alloc : memref<!tpu.dma_semaphore, #tpu.memory_space<semaphore_mem>>
        %dma_start3A_24 = tpu.memref_slice %arg3[%mul3A_16] : memref<322560xi32, #tpu.memory_space<hbm>> -> memref<112xi32, #tpu.memory_space<hbm>>
        %dma_start3A_25 = tpu.memref_slice %arg3[%mul3A_16] : memref<322560xi32, #tpu.memory_space<hbm>> -> memref<112xi32, #tpu.memory_space<hbm>>
        tpu.enqueue_dma source(%dma_start3A_25 : memref<112xi32, #tpu.memory_space<hbm>>) target(%arg7 : memref<112xi32, #tpu.memory_space<vmem>>) target_semaphore(%run_scoped3A : memref<!tpu.dma_semaphore, #tpu.memory_space<semaphore_mem>>)
        %dma_wait3A = tpu.memref_slice %arg3[%mul3A_16] : memref<322560xi32, #tpu.memory_space<hbm>> -> memref<112xi32, #tpu.memory_space<hbm>>
        %dma_wait3A_26 = tpu.memref_slice %arg3[%mul3A_16] : memref<322560xi32, #tpu.memory_space<hbm>> -> memref<112xi32, #tpu.memory_space<hbm>>
        tpu.wait_dma2 semaphore(%run_scoped3A : memref<!tpu.dma_semaphore, #tpu.memory_space<semaphore_mem>>) src(%dma_wait3A_26 : memref<112xi32, #tpu.memory_space<hbm>>) dst(%arg7 : memref<112xi32, #tpu.memory_space<vmem>>)
        tpu.yield
      }) : () -> ()
      "tpu.region"() ({
        %run_scoped3A = tpu.sem_alloc : memref<!tpu.dma_semaphore, #tpu.memory_space<semaphore_mem>>
        %dma_start3A_24 = tpu.memref_slice %arg4[%mul3A_16] : memref<322560xi32, #tpu.memory_space<hbm>> -> memref<112xi32, #tpu.memory_space<hbm>>
        %dma_start3A_25 = tpu.memref_slice %arg4[%mul3A_16] : memref<322560xi32, #tpu.memory_space<hbm>> -> memref<112xi32, #tpu.memory_space<hbm>>
        tpu.enqueue_dma source(%dma_start3A_25 : memref<112xi32, #tpu.memory_space<hbm>>) target(%arg8 : memref<112xi32, #tpu.memory_space<vmem>>) target_semaphore(%run_scoped3A : memref<!tpu.dma_semaphore, #tpu.memory_space<semaphore_mem>>)
        %dma_wait3A = tpu.memref_slice %arg4[%mul3A_16] : memref<322560xi32, #tpu.memory_space<hbm>> -> memref<112xi32, #tpu.memory_space<hbm>>
        %dma_wait3A_26 = tpu.memref_slice %arg4[%mul3A_16] : memref<322560xi32, #tpu.memory_space<hbm>> -> memref<112xi32, #tpu.memory_space<hbm>>
        tpu.wait_dma2 semaphore(%run_scoped3A : memref<!tpu.dma_semaphore, #tpu.memory_space<semaphore_mem>>) src(%dma_wait3A_26 : memref<112xi32, #tpu.memory_space<hbm>>) dst(%arg8 : memref<112xi32, #tpu.memory_space<vmem>>)
        tpu.yield
      }) : () -> ()
      %dma_start3A = arith.constant 0 : i32
      %dma_start3A_17 = arith.constant 0 : i32
      %dma_start3A_18 = tpu.memref_slice %arg2[%dma_start3A, %dma_start3A_17] : memref<10000x128xf32, #tpu.memory_space<hbm>> -> memref<10000x128xf32, #tpu.memory_space<hbm>>
      tpu.enqueue_indirect_dma source(%dma_start3A_18 : memref<10000x128xf32, #tpu.memory_space<hbm>>) target(%arg11 : memref<112x128xf32, #tpu.memory_space<vmem>>) offsets(%arg7 : memref<112xi32, #tpu.memory_space<vmem>>) semaphore(%arg14 : memref<!tpu.dma_semaphore, #tpu.memory_space<semaphore_mem>>)
      %scan3A = arith.constant 0 : i32
      %scan3A_19 = arith.constant 0 : i32
      %scan3A_20 = arith.constant 56 : i32
      %scan3A_21 = arith.addi %scan3A_19, %scan3A_20 : i32
      %scan3A_22 = arith.constant 1 : i32
      scf.for %scan3A_24 = %scan3A_19 to %scan3A_21 step %scan3A_22  : i32 {
        %mul3A_25 = arith.constant 2 : i32
        %mul3A_26 = arith.muli %mul3A_25, %scan3A_24 : i32
        %add3A = arith.constant 1 : i32
        %add3A_27 = arith.addi %mul3A_26, %add3A : i32
        %mul3A_28 = arith.constant 112 : i32
        %mul3A_29 = arith.muli %add3A_27, %mul3A_28 : i32
        %add3A_30 = arith.addi %mul3A_16, %mul3A_29 : i32
        "tpu.region"() ({
          %run_scoped3A = tpu.sem_alloc : memref<!tpu.dma_semaphore, #tpu.memory_space<semaphore_mem>>
          %dma_start3A_45 = tpu.memref_slice %arg3[%add3A_30] : memref<322560xi32, #tpu.memory_space<hbm>> -> memref<112xi32, #tpu.memory_space<hbm>>
          %dma_start3A_46 = tpu.memref_slice %arg3[%add3A_30] : memref<322560xi32, #tpu.memory_space<hbm>> -> memref<112xi32, #tpu.memory_space<hbm>>
          tpu.enqueue_dma source(%dma_start3A_46 : memref<112xi32, #tpu.memory_space<hbm>>) target(%arg9 : memref<112xi32, #tpu.memory_space<vmem>>) target_semaphore(%run_scoped3A : memref<!tpu.dma_semaphore, #tpu.memory_space<semaphore_mem>>)
          %dma_wait3A_47 = tpu.memref_slice %arg3[%add3A_30] : memref<322560xi32, #tpu.memory_space<hbm>> -> memref<112xi32, #tpu.memory_space<hbm>>
          %dma_wait3A_48 = tpu.memref_slice %arg3[%add3A_30] : memref<322560xi32, #tpu.memory_space<hbm>> -> memref<112xi32, #tpu.memory_space<hbm>>
          tpu.wait_dma2 semaphore(%run_scoped3A : memref<!tpu.dma_semaphore, #tpu.memory_space<semaphore_mem>>) src(%dma_wait3A_48 : memref<112xi32, #tpu.memory_space<hbm>>) dst(%arg9 : memref<112xi32, #tpu.memory_space<vmem>>)
          tpu.yield
        }) : () -> ()
        "tpu.region"() ({
          %run_scoped3A = tpu.sem_alloc : memref<!tpu.dma_semaphore, #tpu.memory_space<semaphore_mem>>
          %dma_start3A_45 = tpu.memref_slice %arg4[%add3A_30] : memref<322560xi32, #tpu.memory_space<hbm>> -> memref<112xi32, #tpu.memory_space<hbm>>
          %dma_start3A_46 = tpu.memref_slice %arg4[%add3A_30] : memref<322560xi32, #tpu.memory_space<hbm>> -> memref<112xi32, #tpu.memory_space<hbm>>
          tpu.enqueue_dma source(%dma_start3A_46 : memref<112xi32, #tpu.memory_space<hbm>>) target(%arg10 : memref<112xi32, #tpu.memory_space<vmem>>) target_semaphore(%run_scoped3A : memref<!tpu.dma_semaphore, #tpu.memory_space<semaphore_mem>>)
          %dma_wait3A_47 = tpu.memref_slice %arg4[%add3A_30] : memref<322560xi32, #tpu.memory_space<hbm>> -> memref<112xi32, #tpu.memory_space<hbm>>
          %dma_wait3A_48 = tpu.memref_slice %arg4[%add3A_30] : memref<322560xi32, #tpu.memory_space<hbm>> -> memref<112xi32, #tpu.memory_space<hbm>>
          tpu.wait_dma2 semaphore(%run_scoped3A : memref<!tpu.dma_semaphore, #tpu.memory_space<semaphore_mem>>) src(%dma_wait3A_48 : memref<112xi32, #tpu.memory_space<hbm>>) dst(%arg10 : memref<112xi32, #tpu.memory_space<vmem>>)
          tpu.yield
        }) : () -> ()
        %dma_start3A_31 = arith.constant 0 : i32
        %dma_start3A_32 = arith.constant 0 : i32
        %dma_start3A_33 = tpu.memref_slice %arg2[%dma_start3A_31, %dma_start3A_32] : memref<10000x128xf32, #tpu.memory_space<hbm>> -> memref<10000x128xf32, #tpu.memory_space<hbm>>
        tpu.enqueue_indirect_dma source(%dma_start3A_33 : memref<10000x128xf32, #tpu.memory_space<hbm>>) target(%arg12 : memref<112x128xf32, #tpu.memory_space<vmem>>) offsets(%arg9 : memref<112xi32, #tpu.memory_space<vmem>>) semaphore(%arg15 : memref<!tpu.dma_semaphore, #tpu.memory_space<semaphore_mem>>)
        %dma_wait3A = arith.constant 0 : i32
        %dma_wait3A_34 = arith.constant 0 : i32
        %dma_wait3A_35 = tpu.memref_slice %arg2[%dma_wait3A, %dma_wait3A_34] : memref<10000x128xf32, #tpu.memory_space<hbm>> -> memref<10000x128xf32, #tpu.memory_space<hbm>>
        tpu.wait_indirect_dma semaphore(%arg14 : memref<!tpu.dma_semaphore, #tpu.memory_space<semaphore_mem>>) src(%dma_wait3A_35 : memref<10000x128xf32, #tpu.memory_space<hbm>>) dst(%arg11 : memref<112x128xf32, #tpu.memory_space<vmem>>)
        "tpu.region"() ({
          %run_scoped3A = tpu.sem_alloc : memref<!tpu.dma_semaphore, #tpu.memory_space<semaphore_mem>>
          %dma_start3A_45 = arith.constant 0 : i32
          %dma_start3A_46 = arith.constant 0 : i32
          %dma_start3A_47 = tpu.memref_slice %arg13[%dma_start3A_45, %dma_start3A_46] : memref<10112x128xf32, #tpu.memory_space<vmem_shared>> -> memref<10112x128xf32, #tpu.memory_space<vmem_shared>>
          tpu.enqueue_indirect_dma source(%arg11 : memref<112x128xf32, #tpu.memory_space<vmem>>) target(%dma_start3A_47 : memref<10112x128xf32, #tpu.memory_space<vmem_shared>>) offsets(%arg8 : memref<112xi32, #tpu.memory_space<vmem>>) semaphore(%run_scoped3A : memref<!tpu.dma_semaphore, #tpu.memory_space<semaphore_mem>>) {add = true}
          %dma_wait3A_48 = arith.constant 0 : i32
          %dma_wait3A_49 = arith.constant 0 : i32
          %dma_wait3A_50 = tpu.memref_slice %arg13[%dma_wait3A_48, %dma_wait3A_49] : memref<10112x128xf32, #tpu.memory_space<vmem_shared>> -> memref<10112x128xf32, #tpu.memory_space<vmem_shared>>
          tpu.wait_indirect_dma semaphore(%run_scoped3A : memref<!tpu.dma_semaphore, #tpu.memory_space<semaphore_mem>>) src(%arg11 : memref<112x128xf32, #tpu.memory_space<vmem>>) dst(%dma_wait3A_50 : memref<10112x128xf32, #tpu.memory_space<vmem_shared>>)
          tpu.yield
        }) : () -> ()
        %add3A_36 = arith.constant 1 : i32
        %add3A_37 = arith.addi %scan3A_24, %add3A_36 : i32
        %lt3A = arith.constant 56 : i32
        %lt3A_38 = arith.cmpi slt, %add3A_37, %lt3A : i32
        %convert_element_type3A_39 = arith.extui %lt3A_38 : i1 to i32
        %cond3A_40 = arith.constant 0 : i32
        %cond3A_41 = arith.cmpi ne, %convert_element_type3A_39, %cond3A_40 : i32
        scf.if %cond3A_41 {
          %mul3A_45 = arith.constant 2 : i32
          %mul3A_46 = arith.muli %mul3A_45, %scan3A_24 : i32
          %add3A_47 = arith.constant 2 : i32
          %add3A_48 = arith.addi %mul3A_46, %add3A_47 : i32
          %mul3A_49 = arith.constant 112 : i32
          %mul3A_50 = arith.muli %add3A_48, %mul3A_49 : i32
          %add3A_51 = arith.addi %mul3A_16, %mul3A_50 : i32
          "tpu.region"() ({
            %run_scoped3A = tpu.sem_alloc : memref<!tpu.dma_semaphore, #tpu.memory_space<semaphore_mem>>
            %dma_start3A_55 = tpu.memref_slice %arg3[%add3A_51] : memref<322560xi32, #tpu.memory_space<hbm>> -> memref<112xi32, #tpu.memory_space<hbm>>
            %dma_start3A_56 = tpu.memref_slice %arg3[%add3A_51] : memref<322560xi32, #tpu.memory_space<hbm>> -> memref<112xi32, #tpu.memory_space<hbm>>
            tpu.enqueue_dma source(%dma_start3A_56 : memref<112xi32, #tpu.memory_space<hbm>>) target(%arg7 : memref<112xi32, #tpu.memory_space<vmem>>) target_semaphore(%run_scoped3A : memref<!tpu.dma_semaphore, #tpu.memory_space<semaphore_mem>>)
            %dma_wait3A_57 = tpu.memref_slice %arg3[%add3A_51] : memref<322560xi32, #tpu.memory_space<hbm>> -> memref<112xi32, #tpu.memory_space<hbm>>
            %dma_wait3A_58 = tpu.memref_slice %arg3[%add3A_51] : memref<322560xi32, #tpu.memory_space<hbm>> -> memref<112xi32, #tpu.memory_space<hbm>>
            tpu.wait_dma2 semaphore(%run_scoped3A : memref<!tpu.dma_semaphore, #tpu.memory_space<semaphore_mem>>) src(%dma_wait3A_58 : memref<112xi32, #tpu.memory_space<hbm>>) dst(%arg7 : memref<112xi32, #tpu.memory_space<vmem>>)
            tpu.yield
          }) : () -> ()
          "tpu.region"() ({
            %run_scoped3A = tpu.sem_alloc : memref<!tpu.dma_semaphore, #tpu.memory_space<semaphore_mem>>
            %dma_start3A_55 = tpu.memref_slice %arg4[%add3A_51] : memref<322560xi32, #tpu.memory_space<hbm>> -> memref<112xi32, #tpu.memory_space<hbm>>
            %dma_start3A_56 = tpu.memref_slice %arg4[%add3A_51] : memref<322560xi32, #tpu.memory_space<hbm>> -> memref<112xi32, #tpu.memory_space<hbm>>
            tpu.enqueue_dma source(%dma_start3A_56 : memref<112xi32, #tpu.memory_space<hbm>>) target(%arg8 : memref<112xi32, #tpu.memory_space<vmem>>) target_semaphore(%run_scoped3A : memref<!tpu.dma_semaphore, #tpu.memory_space<semaphore_mem>>)
            %dma_wait3A_57 = tpu.memref_slice %arg4[%add3A_51] : memref<322560xi32, #tpu.memory_space<hbm>> -> memref<112xi32, #tpu.memory_space<hbm>>
            %dma_wait3A_58 = tpu.memref_slice %arg4[%add3A_51] : memref<322560xi32, #tpu.memory_space<hbm>> -> memref<112xi32, #tpu.memory_space<hbm>>
            tpu.wait_dma2 semaphore(%run_scoped3A : memref<!tpu.dma_semaphore, #tpu.memory_space<semaphore_mem>>) src(%dma_wait3A_58 : memref<112xi32, #tpu.memory_space<hbm>>) dst(%arg8 : memref<112xi32, #tpu.memory_space<vmem>>)
            tpu.yield
          }) : () -> ()
          %dma_start3A_52 = arith.constant 0 : i32
          %dma_start3A_53 = arith.constant 0 : i32
          %dma_start3A_54 = tpu.memref_slice %arg2[%dma_start3A_52, %dma_start3A_53] : memref<10000x128xf32, #tpu.memory_space<hbm>> -> memref<10000x128xf32, #tpu.memory_space<hbm>>
          tpu.enqueue_indirect_dma source(%dma_start3A_54 : memref<10000x128xf32, #tpu.memory_space<hbm>>) target(%arg11 : memref<112x128xf32, #tpu.memory_space<vmem>>) offsets(%arg7 : memref<112xi32, #tpu.memory_space<vmem>>) semaphore(%arg14 : memref<!tpu.dma_semaphore, #tpu.memory_space<semaphore_mem>>)
        } else {
        }
        %dma_wait3A_42 = arith.constant 0 : i32
        %dma_wait3A_43 = arith.constant 0 : i32
        %dma_wait3A_44 = tpu.memref_slice %arg2[%dma_wait3A_42, %dma_wait3A_43] : memref<10000x128xf32, #tpu.memory_space<hbm>> -> memref<10000x128xf32, #tpu.memory_space<hbm>>
        tpu.wait_indirect_dma semaphore(%arg15 : memref<!tpu.dma_semaphore, #tpu.memory_space<semaphore_mem>>) src(%dma_wait3A_44 : memref<10000x128xf32, #tpu.memory_space<hbm>>) dst(%arg12 : memref<112x128xf32, #tpu.memory_space<vmem>>)
        "tpu.region"() ({
          %run_scoped3A = tpu.sem_alloc : memref<!tpu.dma_semaphore, #tpu.memory_space<semaphore_mem>>
          %dma_start3A_45 = arith.constant 0 : i32
          %dma_start3A_46 = arith.constant 0 : i32
          %dma_start3A_47 = tpu.memref_slice %arg13[%dma_start3A_45, %dma_start3A_46] : memref<10112x128xf32, #tpu.memory_space<vmem_shared>> -> memref<10112x128xf32, #tpu.memory_space<vmem_shared>>
          tpu.enqueue_indirect_dma source(%arg12 : memref<112x128xf32, #tpu.memory_space<vmem>>) target(%dma_start3A_47 : memref<10112x128xf32, #tpu.memory_space<vmem_shared>>) offsets(%arg10 : memref<112xi32, #tpu.memory_space<vmem>>) semaphore(%run_scoped3A : memref<!tpu.dma_semaphore, #tpu.memory_space<semaphore_mem>>) {add = true}
          %dma_wait3A_48 = arith.constant 0 : i32
          %dma_wait3A_49 = arith.constant 0 : i32
          %dma_wait3A_50 = tpu.memref_slice %arg13[%dma_wait3A_48, %dma_wait3A_49] : memref<10112x128xf32, #tpu.memory_space<vmem_shared>> -> memref<10112x128xf32, #tpu.memory_space<vmem_shared>>
          tpu.wait_indirect_dma semaphore(%run_scoped3A : memref<!tpu.dma_semaphore, #tpu.memory_space<semaphore_mem>>) src(%arg12 : memref<112x128xf32, #tpu.memory_space<vmem>>) dst(%dma_wait3A_50 : memref<10112x128xf32, #tpu.memory_space<vmem_shared>>)
          tpu.yield
        }) : () -> ()
      }
      %scan3A_23 = arith.constant 56 : i32
    } else {
    }
    %eq3A_5 = arith.constant 1 : i32
    %eq3A_6 = arith.cmpi eq, %arg0, %eq3A_5 : i32
    %convert_element_type3A_7 = arith.extui %eq3A_6 : i1 to i32
    %cond3A_8 = arith.constant 0 : i32
    %cond3A_9 = arith.cmpi ne, %convert_element_type3A_7, %cond3A_8 : i32
    scf.if %cond3A_9 {
      %mul3A_15 = arith.constant 7616 : i32
      %mul3A_16 = arith.muli %arg1, %mul3A_15 : i32
      %add3A = arith.constant 200704 : i32
      %add3A_17 = arith.addi %add3A, %mul3A_16 : i32
      "tpu.region"() ({
        %run_scoped3A = tpu.sem_alloc : memref<!tpu.dma_semaphore, #tpu.memory_space<semaphore_mem>>
        %dma_start3A_25 = tpu.memref_slice %arg3[%add3A_17] : memref<322560xi32, #tpu.memory_space<hbm>> -> memref<112xi32, #tpu.memory_space<hbm>>
        %dma_start3A_26 = tpu.memref_slice %arg3[%add3A_17] : memref<322560xi32, #tpu.memory_space<hbm>> -> memref<112xi32, #tpu.memory_space<hbm>>
        tpu.enqueue_dma source(%dma_start3A_26 : memref<112xi32, #tpu.memory_space<hbm>>) target(%arg7 : memref<112xi32, #tpu.memory_space<vmem>>) target_semaphore(%run_scoped3A : memref<!tpu.dma_semaphore, #tpu.memory_space<semaphore_mem>>)
        %dma_wait3A = tpu.memref_slice %arg3[%add3A_17] : memref<322560xi32, #tpu.memory_space<hbm>> -> memref<112xi32, #tpu.memory_space<hbm>>
        %dma_wait3A_27 = tpu.memref_slice %arg3[%add3A_17] : memref<322560xi32, #tpu.memory_space<hbm>> -> memref<112xi32, #tpu.memory_space<hbm>>
        tpu.wait_dma2 semaphore(%run_scoped3A : memref<!tpu.dma_semaphore, #tpu.memory_space<semaphore_mem>>) src(%dma_wait3A_27 : memref<112xi32, #tpu.memory_space<hbm>>) dst(%arg7 : memref<112xi32, #tpu.memory_space<vmem>>)
        tpu.yield
      }) : () -> ()
      "tpu.region"() ({
        %run_scoped3A = tpu.sem_alloc : memref<!tpu.dma_semaphore, #tpu.memory_space<semaphore_mem>>
        %dma_start3A_25 = tpu.memref_slice %arg4[%add3A_17] : memref<322560xi32, #tpu.memory_space<hbm>> -> memref<112xi32, #tpu.memory_space<hbm>>
        %dma_start3A_26 = tpu.memref_slice %arg4[%add3A_17] : memref<322560xi32, #tpu.memory_space<hbm>> -> memref<112xi32, #tpu.memory_space<hbm>>
        tpu.enqueue_dma source(%dma_start3A_26 : memref<112xi32, #tpu.memory_space<hbm>>) target(%arg8 : memref<112xi32, #tpu.memory_space<vmem>>) target_semaphore(%run_scoped3A : memref<!tpu.dma_semaphore, #tpu.memory_space<semaphore_mem>>)
        %dma_wait3A = tpu.memref_slice %arg4[%add3A_17] : memref<322560xi32, #tpu.memory_space<hbm>> -> memref<112xi32, #tpu.memory_space<hbm>>
        %dma_wait3A_27 = tpu.memref_slice %arg4[%add3A_17] : memref<322560xi32, #tpu.memory_space<hbm>> -> memref<112xi32, #tpu.memory_space<hbm>>
        tpu.wait_dma2 semaphore(%run_scoped3A : memref<!tpu.dma_semaphore, #tpu.memory_space<semaphore_mem>>) src(%dma_wait3A_27 : memref<112xi32, #tpu.memory_space<hbm>>) dst(%arg8 : memref<112xi32, #tpu.memory_space<vmem>>)
        tpu.yield
      }) : () -> ()
      %dma_start3A = arith.constant 0 : i32
      %dma_start3A_18 = arith.constant 0 : i32
      %dma_start3A_19 = tpu.memref_slice %arg2[%dma_start3A, %dma_start3A_18] : memref<10000x128xf32, #tpu.memory_space<hbm>> -> memref<10000x128xf32, #tpu.memory_space<hbm>>
      tpu.enqueue_indirect_dma source(%dma_start3A_19 : memref<10000x128xf32, #tpu.memory_space<hbm>>) target(%arg11 : memref<112x128xf32, #tpu.memory_space<vmem>>) offsets(%arg7 : memref<112xi32, #tpu.memory_space<vmem>>) semaphore(%arg14 : memref<!tpu.dma_semaphore, #tpu.memory_space<semaphore_mem>>)
      %scan3A = arith.constant 0 : i32
      %scan3A_20 = arith.constant 0 : i32
      %scan3A_21 = arith.constant 34 : i32
      %scan3A_22 = arith.addi %scan3A_20, %scan3A_21 : i32
      %scan3A_23 = arith.constant 1 : i32
      scf.for %scan3A_25 = %scan3A_20 to %scan3A_22 step %scan3A_23  : i32 {
        %mul3A_26 = arith.constant 2 : i32
        %mul3A_27 = arith.muli %mul3A_26, %scan3A_25 : i32
        %add3A_28 = arith.constant 1 : i32
        %add3A_29 = arith.addi %mul3A_27, %add3A_28 : i32
        %mul3A_30 = arith.constant 112 : i32
        %mul3A_31 = arith.muli %add3A_29, %mul3A_30 : i32
        %add3A_32 = arith.addi %add3A_17, %mul3A_31 : i32
        "tpu.region"() ({
          %run_scoped3A = tpu.sem_alloc : memref<!tpu.dma_semaphore, #tpu.memory_space<semaphore_mem>>
          %dma_start3A_47 = tpu.memref_slice %arg3[%add3A_32] : memref<322560xi32, #tpu.memory_space<hbm>> -> memref<112xi32, #tpu.memory_space<hbm>>
          %dma_start3A_48 = tpu.memref_slice %arg3[%add3A_32] : memref<322560xi32, #tpu.memory_space<hbm>> -> memref<112xi32, #tpu.memory_space<hbm>>
          tpu.enqueue_dma source(%dma_start3A_48 : memref<112xi32, #tpu.memory_space<hbm>>) target(%arg9 : memref<112xi32, #tpu.memory_space<vmem>>) target_semaphore(%run_scoped3A : memref<!tpu.dma_semaphore, #tpu.memory_space<semaphore_mem>>)
          %dma_wait3A_49 = tpu.memref_slice %arg3[%add3A_32] : memref<322560xi32, #tpu.memory_space<hbm>> -> memref<112xi32, #tpu.memory_space<hbm>>
          %dma_wait3A_50 = tpu.memref_slice %arg3[%add3A_32] : memref<322560xi32, #tpu.memory_space<hbm>> -> memref<112xi32, #tpu.memory_space<hbm>>
          tpu.wait_dma2 semaphore(%run_scoped3A : memref<!tpu.dma_semaphore, #tpu.memory_space<semaphore_mem>>) src(%dma_wait3A_50 : memref<112xi32, #tpu.memory_space<hbm>>) dst(%arg9 : memref<112xi32, #tpu.memory_space<vmem>>)
          tpu.yield
        }) : () -> ()
        "tpu.region"() ({
          %run_scoped3A = tpu.sem_alloc : memref<!tpu.dma_semaphore, #tpu.memory_space<semaphore_mem>>
          %dma_start3A_47 = tpu.memref_slice %arg4[%add3A_32] : memref<322560xi32, #tpu.memory_space<hbm>> -> memref<112xi32, #tpu.memory_space<hbm>>
          %dma_start3A_48 = tpu.memref_slice %arg4[%add3A_32] : memref<322560xi32, #tpu.memory_space<hbm>> -> memref<112xi32, #tpu.memory_space<hbm>>
          tpu.enqueue_dma source(%dma_start3A_48 : memref<112xi32, #tpu.memory_space<hbm>>) target(%arg10 : memref<112xi32, #tpu.memory_space<vmem>>) target_semaphore(%run_scoped3A : memref<!tpu.dma_semaphore, #tpu.memory_space<semaphore_mem>>)
          %dma_wait3A_49 = tpu.memref_slice %arg4[%add3A_32] : memref<322560xi32, #tpu.memory_space<hbm>> -> memref<112xi32, #tpu.memory_space<hbm>>
          %dma_wait3A_50 = tpu.memref_slice %arg4[%add3A_32] : memref<322560xi32, #tpu.memory_space<hbm>> -> memref<112xi32, #tpu.memory_space<hbm>>
          tpu.wait_dma2 semaphore(%run_scoped3A : memref<!tpu.dma_semaphore, #tpu.memory_space<semaphore_mem>>) src(%dma_wait3A_50 : memref<112xi32, #tpu.memory_space<hbm>>) dst(%arg10 : memref<112xi32, #tpu.memory_space<vmem>>)
          tpu.yield
        }) : () -> ()
        %dma_start3A_33 = arith.constant 0 : i32
        %dma_start3A_34 = arith.constant 0 : i32
        %dma_start3A_35 = tpu.memref_slice %arg2[%dma_start3A_33, %dma_start3A_34] : memref<10000x128xf32, #tpu.memory_space<hbm>> -> memref<10000x128xf32, #tpu.memory_space<hbm>>
        tpu.enqueue_indirect_dma source(%dma_start3A_35 : memref<10000x128xf32, #tpu.memory_space<hbm>>) target(%arg12 : memref<112x128xf32, #tpu.memory_space<vmem>>) offsets(%arg9 : memref<112xi32, #tpu.memory_space<vmem>>) semaphore(%arg15 : memref<!tpu.dma_semaphore, #tpu.memory_space<semaphore_mem>>)
        %dma_wait3A = arith.constant 0 : i32
        %dma_wait3A_36 = arith.constant 0 : i32
        %dma_wait3A_37 = tpu.memref_slice %arg2[%dma_wait3A, %dma_wait3A_36] : memref<10000x128xf32, #tpu.memory_space<hbm>> -> memref<10000x128xf32, #tpu.memory_space<hbm>>
        tpu.wait_indirect_dma semaphore(%arg14 : memref<!tpu.dma_semaphore, #tpu.memory_space<semaphore_mem>>) src(%dma_wait3A_37 : memref<10000x128xf32, #tpu.memory_space<hbm>>) dst(%arg11 : memref<112x128xf32, #tpu.memory_space<vmem>>)
        "tpu.region"() ({
          %run_scoped3A = tpu.sem_alloc : memref<!tpu.dma_semaphore, #tpu.memory_space<semaphore_mem>>
          %dma_start3A_47 = arith.constant 0 : i32
          %dma_start3A_48 = arith.constant 0 : i32
          %dma_start3A_49 = tpu.memref_slice %arg13[%dma_start3A_47, %dma_start3A_48] : memref<10112x128xf32, #tpu.memory_space<vmem_shared>> -> memref<10112x128xf32, #tpu.memory_space<vmem_shared>>
          tpu.enqueue_indirect_dma source(%arg11 : memref<112x128xf32, #tpu.memory_space<vmem>>) target(%dma_start3A_49 : memref<10112x128xf32, #tpu.memory_space<vmem_shared>>) offsets(%arg8 : memref<112xi32, #tpu.memory_space<vmem>>) semaphore(%run_scoped3A : memref<!tpu.dma_semaphore, #tpu.memory_space<semaphore_mem>>) {add = true}
          %dma_wait3A_50 = arith.constant 0 : i32
          %dma_wait3A_51 = arith.constant 0 : i32
          %dma_wait3A_52 = tpu.memref_slice %arg13[%dma_wait3A_50, %dma_wait3A_51] : memref<10112x128xf32, #tpu.memory_space<vmem_shared>> -> memref<10112x128xf32, #tpu.memory_space<vmem_shared>>
          tpu.wait_indirect_dma semaphore(%run_scoped3A : memref<!tpu.dma_semaphore, #tpu.memory_space<semaphore_mem>>) src(%arg11 : memref<112x128xf32, #tpu.memory_space<vmem>>) dst(%dma_wait3A_52 : memref<10112x128xf32, #tpu.memory_space<vmem_shared>>)
          tpu.yield
        }) : () -> ()
        %add3A_38 = arith.constant 1 : i32
        %add3A_39 = arith.addi %scan3A_25, %add3A_38 : i32
        %lt3A = arith.constant 34 : i32
        %lt3A_40 = arith.cmpi slt, %add3A_39, %lt3A : i32
        %convert_element_type3A_41 = arith.extui %lt3A_40 : i1 to i32
        %cond3A_42 = arith.constant 0 : i32
        %cond3A_43 = arith.cmpi ne, %convert_element_type3A_41, %cond3A_42 : i32
        scf.if %cond3A_43 {
          %mul3A_47 = arith.constant 2 : i32
          %mul3A_48 = arith.muli %mul3A_47, %scan3A_25 : i32
          %add3A_49 = arith.constant 2 : i32
          %add3A_50 = arith.addi %mul3A_48, %add3A_49 : i32
          %mul3A_51 = arith.constant 112 : i32
          %mul3A_52 = arith.muli %add3A_50, %mul3A_51 : i32
          %add3A_53 = arith.addi %add3A_17, %mul3A_52 : i32
          "tpu.region"() ({
            %run_scoped3A = tpu.sem_alloc : memref<!tpu.dma_semaphore, #tpu.memory_space<semaphore_mem>>
            %dma_start3A_57 = tpu.memref_slice %arg3[%add3A_53] : memref<322560xi32, #tpu.memory_space<hbm>> -> memref<112xi32, #tpu.memory_space<hbm>>
            %dma_start3A_58 = tpu.memref_slice %arg3[%add3A_53] : memref<322560xi32, #tpu.memory_space<hbm>> -> memref<112xi32, #tpu.memory_space<hbm>>
            tpu.enqueue_dma source(%dma_start3A_58 : memref<112xi32, #tpu.memory_space<hbm>>) target(%arg7 : memref<112xi32, #tpu.memory_space<vmem>>) target_semaphore(%run_scoped3A : memref<!tpu.dma_semaphore, #tpu.memory_space<semaphore_mem>>)
            %dma_wait3A_59 = tpu.memref_slice %arg3[%add3A_53] : memref<322560xi32, #tpu.memory_space<hbm>> -> memref<112xi32, #tpu.memory_space<hbm>>
            %dma_wait3A_60 = tpu.memref_slice %arg3[%add3A_53] : memref<322560xi32, #tpu.memory_space<hbm>> -> memref<112xi32, #tpu.memory_space<hbm>>
            tpu.wait_dma2 semaphore(%run_scoped3A : memref<!tpu.dma_semaphore, #tpu.memory_space<semaphore_mem>>) src(%dma_wait3A_60 : memref<112xi32, #tpu.memory_space<hbm>>) dst(%arg7 : memref<112xi32, #tpu.memory_space<vmem>>)
            tpu.yield
          }) : () -> ()
          "tpu.region"() ({
            %run_scoped3A = tpu.sem_alloc : memref<!tpu.dma_semaphore, #tpu.memory_space<semaphore_mem>>
            %dma_start3A_57 = tpu.memref_slice %arg4[%add3A_53] : memref<322560xi32, #tpu.memory_space<hbm>> -> memref<112xi32, #tpu.memory_space<hbm>>
            %dma_start3A_58 = tpu.memref_slice %arg4[%add3A_53] : memref<322560xi32, #tpu.memory_space<hbm>> -> memref<112xi32, #tpu.memory_space<hbm>>
            tpu.enqueue_dma source(%dma_start3A_58 : memref<112xi32, #tpu.memory_space<hbm>>) target(%arg8 : memref<112xi32, #tpu.memory_space<vmem>>) target_semaphore(%run_scoped3A : memref<!tpu.dma_semaphore, #tpu.memory_space<semaphore_mem>>)
            %dma_wait3A_59 = tpu.memref_slice %arg4[%add3A_53] : memref<322560xi32, #tpu.memory_space<hbm>> -> memref<112xi32, #tpu.memory_space<hbm>>
            %dma_wait3A_60 = tpu.memref_slice %arg4[%add3A_53] : memref<322560xi32, #tpu.memory_space<hbm>> -> memref<112xi32, #tpu.memory_space<hbm>>
            tpu.wait_dma2 semaphore(%run_scoped3A : memref<!tpu.dma_semaphore, #tpu.memory_space<semaphore_mem>>) src(%dma_wait3A_60 : memref<112xi32, #tpu.memory_space<hbm>>) dst(%arg8 : memref<112xi32, #tpu.memory_space<vmem>>)
            tpu.yield
          }) : () -> ()
          %dma_start3A_54 = arith.constant 0 : i32
          %dma_start3A_55 = arith.constant 0 : i32
          %dma_start3A_56 = tpu.memref_slice %arg2[%dma_start3A_54, %dma_start3A_55] : memref<10000x128xf32, #tpu.memory_space<hbm>> -> memref<10000x128xf32, #tpu.memory_space<hbm>>
          tpu.enqueue_indirect_dma source(%dma_start3A_56 : memref<10000x128xf32, #tpu.memory_space<hbm>>) target(%arg11 : memref<112x128xf32, #tpu.memory_space<vmem>>) offsets(%arg7 : memref<112xi32, #tpu.memory_space<vmem>>) semaphore(%arg14 : memref<!tpu.dma_semaphore, #tpu.memory_space<semaphore_mem>>)
        } else {
        }
        %dma_wait3A_44 = arith.constant 0 : i32
        %dma_wait3A_45 = arith.constant 0 : i32
        %dma_wait3A_46 = tpu.memref_slice %arg2[%dma_wait3A_44, %dma_wait3A_45] : memref<10000x128xf32, #tpu.memory_space<hbm>> -> memref<10000x128xf32, #tpu.memory_space<hbm>>
        tpu.wait_indirect_dma semaphore(%arg15 : memref<!tpu.dma_semaphore, #tpu.memory_space<semaphore_mem>>) src(%dma_wait3A_46 : memref<10000x128xf32, #tpu.memory_space<hbm>>) dst(%arg12 : memref<112x128xf32, #tpu.memory_space<vmem>>)
        "tpu.region"() ({
          %run_scoped3A = tpu.sem_alloc : memref<!tpu.dma_semaphore, #tpu.memory_space<semaphore_mem>>
          %dma_start3A_47 = arith.constant 0 : i32
          %dma_start3A_48 = arith.constant 0 : i32
          %dma_start3A_49 = tpu.memref_slice %arg13[%dma_start3A_47, %dma_start3A_48] : memref<10112x128xf32, #tpu.memory_space<vmem_shared>> -> memref<10112x128xf32, #tpu.memory_space<vmem_shared>>
          tpu.enqueue_indirect_dma source(%arg12 : memref<112x128xf32, #tpu.memory_space<vmem>>) target(%dma_start3A_49 : memref<10112x128xf32, #tpu.memory_space<vmem_shared>>) offsets(%arg10 : memref<112xi32, #tpu.memory_space<vmem>>) semaphore(%run_scoped3A : memref<!tpu.dma_semaphore, #tpu.memory_space<semaphore_mem>>) {add = true}
          %dma_wait3A_50 = arith.constant 0 : i32
          %dma_wait3A_51 = arith.constant 0 : i32
          %dma_wait3A_52 = tpu.memref_slice %arg13[%dma_wait3A_50, %dma_wait3A_51] : memref<10112x128xf32, #tpu.memory_space<vmem_shared>> -> memref<10112x128xf32, #tpu.memory_space<vmem_shared>>
          tpu.wait_indirect_dma semaphore(%run_scoped3A : memref<!tpu.dma_semaphore, #tpu.memory_space<semaphore_mem>>) src(%arg12 : memref<112x128xf32, #tpu.memory_space<vmem>>) dst(%dma_wait3A_52 : memref<10112x128xf32, #tpu.memory_space<vmem_shared>>)
          tpu.yield
        }) : () -> ()
      }
      %scan3A_24 = arith.constant 34 : i32
    } else {
    }
    %barrier3A_10 = arith.constant 0 : index
    tpu.barrier barrier_id(%barrier3A_10)
    %mul3A_11 = arith.constant 632 : i32
    %mul3A_12 = arith.muli %arg1, %mul3A_11 : i32
    %mul3A_13 = arith.constant 632 : i32
    %mul3A_14 = arith.muli %arg1, %mul3A_13 : i32
    "tpu.region"() ({
      %run_scoped3A = tpu.sem_alloc : memref<!tpu.dma_semaphore, #tpu.memory_space<semaphore_mem>>
      %dma_start3A = arith.constant 0 : i32
      %dma_start3A_15 = tpu.memref_slice %arg6[%arg0, %mul3A_14, %dma_start3A] : memref<2x10112x128xf32, #tpu.memory_space<hbm>> -> memref<1x632x128xf32, #tpu.memory_space<hbm>>
      %dma_start3A_16 = tpu.memref_squeeze %dma_start3A_15 : memref<1x632x128xf32, #tpu.memory_space<hbm>> -> memref<632x128xf32, #tpu.memory_space<hbm>>
      %dma_start3A_17 = arith.constant 0 : i32
      %dma_start3A_18 = tpu.memref_slice %arg13[%mul3A_12, %dma_start3A_17] : memref<10112x128xf32, #tpu.memory_space<vmem_shared>> -> memref<632x128xf32, #tpu.memory_space<vmem_shared>>
      tpu.enqueue_dma source(%dma_start3A_18 : memref<632x128xf32, #tpu.memory_space<vmem_shared>>) target(%dma_start3A_16 : memref<632x128xf32, #tpu.memory_space<hbm>>) target_semaphore(%run_scoped3A : memref<!tpu.dma_semaphore, #tpu.memory_space<semaphore_mem>>)
      %dma_wait3A = arith.constant 0 : i32
      %dma_wait3A_19 = tpu.memref_slice %arg6[%arg0, %mul3A_14, %dma_wait3A] : memref<2x10112x128xf32, #tpu.memory_space<hbm>> -> memref<1x632x128xf32, #tpu.memory_space<hbm>>
      %dma_wait3A_20 = tpu.memref_squeeze %dma_wait3A_19 : memref<1x632x128xf32, #tpu.memory_space<hbm>> -> memref<632x128xf32, #tpu.memory_space<hbm>>
      %dma_wait3A_21 = arith.constant 0 : i32
      %dma_wait3A_22 = tpu.memref_slice %arg13[%mul3A_12, %dma_wait3A_21] : memref<10112x128xf32, #tpu.memory_space<vmem_shared>> -> memref<632x128xf32, #tpu.memory_space<vmem_shared>>
      tpu.wait_dma2 semaphore(%run_scoped3A : memref<!tpu.dma_semaphore, #tpu.memory_space<semaphore_mem>>) src(%dma_wait3A_22 : memref<632x128xf32, #tpu.memory_space<vmem_shared>>) dst(%dma_wait3A_20 : memref<632x128xf32, #tpu.memory_space<hbm>>)
      tpu.yield
    }) : () -> ()
    return
  }
}

#map = affine_map<(d0, d1) -> (0, 0)>
#map1 = affine_map<(d0, d1) -> (0)>
#map2 = affine_map<(d0, d1) -> (0, 0, 0)>
module attributes {stable_mosaic.version = 14 : i64} {
  func.func @_sc_propagate(%arg0: i32, %arg1: i32, %arg2: memref<10000x128xf32, #tpu.memory_space<hbm>>, %arg3: memref<322560xi32, #tpu.memory_space<hbm>>, %arg4: memref<322560xi32, #tpu.memory_space<hbm>>, %arg5: memref<10112x128xf32, #tpu.memory_space<hbm>>, %arg6: memref<2x10112x128xf32, #tpu.memory_space<hbm>>, %arg7: memref<112xi32, #tpu.memory_space<vmem>>, %arg8: memref<112xi32, #tpu.memory_space<vmem>>, %arg9: memref<112xi32, #tpu.memory_space<vmem>>, %arg10: memref<112xi32, #tpu.memory_space<vmem>>, %arg11: memref<112x128xf32, #tpu.memory_space<vmem>>, %arg12: memref<112x128xf32, #tpu.memory_space<vmem>>, %arg13: memref<10112x128xf32, #tpu.memory_space<vmem_shared>>, %arg14: memref<!tpu.dma_semaphore, #tpu.memory_space<semaphore_mem>>, %arg15: memref<!tpu.dma_semaphore, #tpu.memory_space<semaphore_mem>>) attributes {dimension_semantics = [#tpu.dimension_semantics<core_parallel>, #tpu.dimension_semantics<subcore_parallel>], iteration_bounds = array<i64: 2, 16>, scalar_prefetch = 0 : i64, scratch_operands = 9 : i64, tpu.core_type = #tpu.core_type<sc_vector_subcore>, window_params = [{transform_indices = #map}, {transform_indices = #map1}, {transform_indices = #map1}, {transform_indices = #map}, {transform_indices = #map2}]} {
    %mul3A = arith.constant 632 : i32
    %mul3A_0 = arith.muli %arg1, %mul3A : i32
    %mul3A_1 = arith.constant 632 : i32
    %mul3A_2 = arith.muli %arg1, %mul3A_1 : i32
    "tpu.region"() ({
      %run_scoped3A = tpu.sem_alloc : memref<!tpu.dma_semaphore, #tpu.memory_space<semaphore_mem>>
      %dma_start3A = arith.constant 0 : i32
      %dma_start3A_15 = tpu.memref_slice %arg13[%mul3A_2, %dma_start3A] : memref<10112x128xf32, #tpu.memory_space<vmem_shared>> -> memref<632x128xf32, #tpu.memory_space<vmem_shared>>
      %dma_start3A_16 = arith.constant 0 : i32
      %dma_start3A_17 = tpu.memref_slice %arg5[%mul3A_0, %dma_start3A_16] : memref<10112x128xf32, #tpu.memory_space<hbm>> -> memref<632x128xf32, #tpu.memory_space<hbm>>
      tpu.enqueue_dma source(%dma_start3A_17 : memref<632x128xf32, #tpu.memory_space<hbm>>) target(%dma_start3A_15 : memref<632x128xf32, #tpu.memory_space<vmem_shared>>) target_semaphore(%run_scoped3A : memref<!tpu.dma_semaphore, #tpu.memory_space<semaphore_mem>>)
      %dma_wait3A = arith.constant 0 : i32
      %dma_wait3A_18 = tpu.memref_slice %arg13[%mul3A_2, %dma_wait3A] : memref<10112x128xf32, #tpu.memory_space<vmem_shared>> -> memref<632x128xf32, #tpu.memory_space<vmem_shared>>
      %dma_wait3A_19 = arith.constant 0 : i32
      %dma_wait3A_20 = tpu.memref_slice %arg5[%mul3A_0, %dma_wait3A_19] : memref<10112x128xf32, #tpu.memory_space<hbm>> -> memref<632x128xf32, #tpu.memory_space<hbm>>
      tpu.wait_dma2 semaphore(%run_scoped3A : memref<!tpu.dma_semaphore, #tpu.memory_space<semaphore_mem>>) src(%dma_wait3A_20 : memref<632x128xf32, #tpu.memory_space<hbm>>) dst(%dma_wait3A_18 : memref<632x128xf32, #tpu.memory_space<vmem_shared>>)
      tpu.yield
    }) : () -> ()
    %barrier3A = arith.constant 0 : index
    tpu.barrier barrier_id(%barrier3A)
    %eq3A = arith.constant 0 : i32
    %eq3A_3 = arith.cmpi eq, %arg0, %eq3A : i32
    %convert_element_type3A = arith.extui %eq3A_3 : i1 to i32
    %cond3A = arith.constant 0 : i32
    %cond3A_4 = arith.cmpi ne, %convert_element_type3A, %cond3A : i32
    scf.if %cond3A_4 {
      %mul3A_15 = arith.constant 12544 : i32
      %mul3A_16 = arith.muli %arg1, %mul3A_15 : i32
      "tpu.region"() ({
        %run_scoped3A = tpu.sem_alloc : memref<!tpu.dma_semaphore, #tpu.memory_space<semaphore_mem>>
        %dma_start3A_24 = tpu.memref_slice %arg3[%mul3A_16] : memref<322560xi32, #tpu.memory_space<hbm>> -> memref<112xi32, #tpu.memory_space<hbm>>
        %dma_start3A_25 = tpu.memref_slice %arg3[%mul3A_16] : memref<322560xi32, #tpu.memory_space<hbm>> -> memref<112xi32, #tpu.memory_space<hbm>>
        tpu.enqueue_dma source(%dma_start3A_25 : memref<112xi32, #tpu.memory_space<hbm>>) target(%arg7 : memref<112xi32, #tpu.memory_space<vmem>>) target_semaphore(%run_scoped3A : memref<!tpu.dma_semaphore, #tpu.memory_space<semaphore_mem>>)
        %dma_wait3A = tpu.memref_slice %arg3[%mul3A_16] : memref<322560xi32, #tpu.memory_space<hbm>> -> memref<112xi32, #tpu.memory_space<hbm>>
        %dma_wait3A_26 = tpu.memref_slice %arg3[%mul3A_16] : memref<322560xi32, #tpu.memory_space<hbm>> -> memref<112xi32, #tpu.memory_space<hbm>>
        tpu.wait_dma2 semaphore(%run_scoped3A : memref<!tpu.dma_semaphore, #tpu.memory_space<semaphore_mem>>) src(%dma_wait3A_26 : memref<112xi32, #tpu.memory_space<hbm>>) dst(%arg7 : memref<112xi32, #tpu.memory_space<vmem>>)
        tpu.yield
      }) : () -> ()
      "tpu.region"() ({
        %run_scoped3A = tpu.sem_alloc : memref<!tpu.dma_semaphore, #tpu.memory_space<semaphore_mem>>
        %dma_start3A_24 = tpu.memref_slice %arg4[%mul3A_16] : memref<322560xi32, #tpu.memory_space<hbm>> -> memref<112xi32, #tpu.memory_space<hbm>>
        %dma_start3A_25 = tpu.memref_slice %arg4[%mul3A_16] : memref<322560xi32, #tpu.memory_space<hbm>> -> memref<112xi32, #tpu.memory_space<hbm>>
        tpu.enqueue_dma source(%dma_start3A_25 : memref<112xi32, #tpu.memory_space<hbm>>) target(%arg8 : memref<112xi32, #tpu.memory_space<vmem>>) target_semaphore(%run_scoped3A : memref<!tpu.dma_semaphore, #tpu.memory_space<semaphore_mem>>)
        %dma_wait3A = tpu.memref_slice %arg4[%mul3A_16] : memref<322560xi32, #tpu.memory_space<hbm>> -> memref<112xi32, #tpu.memory_space<hbm>>
        %dma_wait3A_26 = tpu.memref_slice %arg4[%mul3A_16] : memref<322560xi32, #tpu.memory_space<hbm>> -> memref<112xi32, #tpu.memory_space<hbm>>
        tpu.wait_dma2 semaphore(%run_scoped3A : memref<!tpu.dma_semaphore, #tpu.memory_space<semaphore_mem>>) src(%dma_wait3A_26 : memref<112xi32, #tpu.memory_space<hbm>>) dst(%arg8 : memref<112xi32, #tpu.memory_space<vmem>>)
        tpu.yield
      }) : () -> ()
      %dma_start3A = arith.constant 0 : i32
      %dma_start3A_17 = arith.constant 0 : i32
      %dma_start3A_18 = tpu.memref_slice %arg2[%dma_start3A, %dma_start3A_17] : memref<10000x128xf32, #tpu.memory_space<hbm>> -> memref<10000x128xf32, #tpu.memory_space<hbm>>
      tpu.enqueue_indirect_dma source(%dma_start3A_18 : memref<10000x128xf32, #tpu.memory_space<hbm>>) target(%arg11 : memref<112x128xf32, #tpu.memory_space<vmem>>) offsets(%arg7 : memref<112xi32, #tpu.memory_space<vmem>>) semaphore(%arg14 : memref<!tpu.dma_semaphore, #tpu.memory_space<semaphore_mem>>)
      %scan3A = arith.constant 0 : i32
      %scan3A_19 = arith.constant 0 : i32
      %scan3A_20 = arith.constant 56 : i32
      %scan3A_21 = arith.addi %scan3A_19, %scan3A_20 : i32
      %scan3A_22 = arith.constant 1 : i32
      scf.for %scan3A_24 = %scan3A_19 to %scan3A_21 step %scan3A_22  : i32 {
        %mul3A_25 = arith.constant 2 : i32
        %mul3A_26 = arith.muli %mul3A_25, %scan3A_24 : i32
        %add3A = arith.constant 1 : i32
        %add3A_27 = arith.addi %mul3A_26, %add3A : i32
        %mul3A_28 = arith.constant 112 : i32
        %mul3A_29 = arith.muli %add3A_27, %mul3A_28 : i32
        %add3A_30 = arith.addi %mul3A_16, %mul3A_29 : i32
        "tpu.region"() ({
          %run_scoped3A = tpu.sem_alloc : memref<!tpu.dma_semaphore, #tpu.memory_space<semaphore_mem>>
          %dma_start3A_45 = tpu.memref_slice %arg3[%add3A_30] : memref<322560xi32, #tpu.memory_space<hbm>> -> memref<112xi32, #tpu.memory_space<hbm>>
          %dma_start3A_46 = tpu.memref_slice %arg3[%add3A_30] : memref<322560xi32, #tpu.memory_space<hbm>> -> memref<112xi32, #tpu.memory_space<hbm>>
          tpu.enqueue_dma source(%dma_start3A_46 : memref<112xi32, #tpu.memory_space<hbm>>) target(%arg9 : memref<112xi32, #tpu.memory_space<vmem>>) target_semaphore(%run_scoped3A : memref<!tpu.dma_semaphore, #tpu.memory_space<semaphore_mem>>)
          %dma_wait3A_47 = tpu.memref_slice %arg3[%add3A_30] : memref<322560xi32, #tpu.memory_space<hbm>> -> memref<112xi32, #tpu.memory_space<hbm>>
          %dma_wait3A_48 = tpu.memref_slice %arg3[%add3A_30] : memref<322560xi32, #tpu.memory_space<hbm>> -> memref<112xi32, #tpu.memory_space<hbm>>
          tpu.wait_dma2 semaphore(%run_scoped3A : memref<!tpu.dma_semaphore, #tpu.memory_space<semaphore_mem>>) src(%dma_wait3A_48 : memref<112xi32, #tpu.memory_space<hbm>>) dst(%arg9 : memref<112xi32, #tpu.memory_space<vmem>>)
          tpu.yield
        }) : () -> ()
        "tpu.region"() ({
          %run_scoped3A = tpu.sem_alloc : memref<!tpu.dma_semaphore, #tpu.memory_space<semaphore_mem>>
          %dma_start3A_45 = tpu.memref_slice %arg4[%add3A_30] : memref<322560xi32, #tpu.memory_space<hbm>> -> memref<112xi32, #tpu.memory_space<hbm>>
          %dma_start3A_46 = tpu.memref_slice %arg4[%add3A_30] : memref<322560xi32, #tpu.memory_space<hbm>> -> memref<112xi32, #tpu.memory_space<hbm>>
          tpu.enqueue_dma source(%dma_start3A_46 : memref<112xi32, #tpu.memory_space<hbm>>) target(%arg10 : memref<112xi32, #tpu.memory_space<vmem>>) target_semaphore(%run_scoped3A : memref<!tpu.dma_semaphore, #tpu.memory_space<semaphore_mem>>)
          %dma_wait3A_47 = tpu.memref_slice %arg4[%add3A_30] : memref<322560xi32, #tpu.memory_space<hbm>> -> memref<112xi32, #tpu.memory_space<hbm>>
          %dma_wait3A_48 = tpu.memref_slice %arg4[%add3A_30] : memref<322560xi32, #tpu.memory_space<hbm>> -> memref<112xi32, #tpu.memory_space<hbm>>
          tpu.wait_dma2 semaphore(%run_scoped3A : memref<!tpu.dma_semaphore, #tpu.memory_space<semaphore_mem>>) src(%dma_wait3A_48 : memref<112xi32, #tpu.memory_space<hbm>>) dst(%arg10 : memref<112xi32, #tpu.memory_space<vmem>>)
          tpu.yield
        }) : () -> ()
        %dma_start3A_31 = arith.constant 0 : i32
        %dma_start3A_32 = arith.constant 0 : i32
        %dma_start3A_33 = tpu.memref_slice %arg2[%dma_start3A_31, %dma_start3A_32] : memref<10000x128xf32, #tpu.memory_space<hbm>> -> memref<10000x128xf32, #tpu.memory_space<hbm>>
        tpu.enqueue_indirect_dma source(%dma_start3A_33 : memref<10000x128xf32, #tpu.memory_space<hbm>>) target(%arg12 : memref<112x128xf32, #tpu.memory_space<vmem>>) offsets(%arg9 : memref<112xi32, #tpu.memory_space<vmem>>) semaphore(%arg15 : memref<!tpu.dma_semaphore, #tpu.memory_space<semaphore_mem>>)
        %dma_wait3A = arith.constant 0 : i32
        %dma_wait3A_34 = arith.constant 0 : i32
        %dma_wait3A_35 = tpu.memref_slice %arg2[%dma_wait3A, %dma_wait3A_34] : memref<10000x128xf32, #tpu.memory_space<hbm>> -> memref<10000x128xf32, #tpu.memory_space<hbm>>
        tpu.wait_indirect_dma semaphore(%arg14 : memref<!tpu.dma_semaphore, #tpu.memory_space<semaphore_mem>>) src(%dma_wait3A_35 : memref<10000x128xf32, #tpu.memory_space<hbm>>) dst(%arg11 : memref<112x128xf32, #tpu.memory_space<vmem>>)
        "tpu.region"() ({
          %run_scoped3A = tpu.sem_alloc : memref<!tpu.dma_semaphore, #tpu.memory_space<semaphore_mem>>
          %dma_start3A_45 = arith.constant 0 : i32
          %dma_start3A_46 = arith.constant 0 : i32
          %dma_start3A_47 = tpu.memref_slice %arg13[%dma_start3A_45, %dma_start3A_46] : memref<10112x128xf32, #tpu.memory_space<vmem_shared>> -> memref<10112x128xf32, #tpu.memory_space<vmem_shared>>
          tpu.enqueue_indirect_dma source(%arg11 : memref<112x128xf32, #tpu.memory_space<vmem>>) target(%dma_start3A_47 : memref<10112x128xf32, #tpu.memory_space<vmem_shared>>) offsets(%arg8 : memref<112xi32, #tpu.memory_space<vmem>>) semaphore(%run_scoped3A : memref<!tpu.dma_semaphore, #tpu.memory_space<semaphore_mem>>) {add = true}
          %dma_wait3A_48 = arith.constant 0 : i32
          %dma_wait3A_49 = arith.constant 0 : i32
          %dma_wait3A_50 = tpu.memref_slice %arg13[%dma_wait3A_48, %dma_wait3A_49] : memref<10112x128xf32, #tpu.memory_space<vmem_shared>> -> memref<10112x128xf32, #tpu.memory_space<vmem_shared>>
          tpu.wait_indirect_dma semaphore(%run_scoped3A : memref<!tpu.dma_semaphore, #tpu.memory_space<semaphore_mem>>) src(%arg11 : memref<112x128xf32, #tpu.memory_space<vmem>>) dst(%dma_wait3A_50 : memref<10112x128xf32, #tpu.memory_space<vmem_shared>>)
          tpu.yield
        }) : () -> ()
        %add3A_36 = arith.constant 1 : i32
        %add3A_37 = arith.addi %scan3A_24, %add3A_36 : i32
        %lt3A = arith.constant 56 : i32
        %lt3A_38 = arith.cmpi slt, %add3A_37, %lt3A : i32
        %convert_element_type3A_39 = arith.extui %lt3A_38 : i1 to i32
        %cond3A_40 = arith.constant 0 : i32
        %cond3A_41 = arith.cmpi ne, %convert_element_type3A_39, %cond3A_40 : i32
        scf.if %cond3A_41 {
          %mul3A_45 = arith.constant 2 : i32
          %mul3A_46 = arith.muli %mul3A_45, %scan3A_24 : i32
          %add3A_47 = arith.constant 2 : i32
          %add3A_48 = arith.addi %mul3A_46, %add3A_47 : i32
          %mul3A_49 = arith.constant 112 : i32
          %mul3A_50 = arith.muli %add3A_48, %mul3A_49 : i32
          %add3A_51 = arith.addi %mul3A_16, %mul3A_50 : i32
          "tpu.region"() ({
            %run_scoped3A = tpu.sem_alloc : memref<!tpu.dma_semaphore, #tpu.memory_space<semaphore_mem>>
            %dma_start3A_55 = tpu.memref_slice %arg3[%add3A_51] : memref<322560xi32, #tpu.memory_space<hbm>> -> memref<112xi32, #tpu.memory_space<hbm>>
            %dma_start3A_56 = tpu.memref_slice %arg3[%add3A_51] : memref<322560xi32, #tpu.memory_space<hbm>> -> memref<112xi32, #tpu.memory_space<hbm>>
            tpu.enqueue_dma source(%dma_start3A_56 : memref<112xi32, #tpu.memory_space<hbm>>) target(%arg7 : memref<112xi32, #tpu.memory_space<vmem>>) target_semaphore(%run_scoped3A : memref<!tpu.dma_semaphore, #tpu.memory_space<semaphore_mem>>)
            %dma_wait3A_57 = tpu.memref_slice %arg3[%add3A_51] : memref<322560xi32, #tpu.memory_space<hbm>> -> memref<112xi32, #tpu.memory_space<hbm>>
            %dma_wait3A_58 = tpu.memref_slice %arg3[%add3A_51] : memref<322560xi32, #tpu.memory_space<hbm>> -> memref<112xi32, #tpu.memory_space<hbm>>
            tpu.wait_dma2 semaphore(%run_scoped3A : memref<!tpu.dma_semaphore, #tpu.memory_space<semaphore_mem>>) src(%dma_wait3A_58 : memref<112xi32, #tpu.memory_space<hbm>>) dst(%arg7 : memref<112xi32, #tpu.memory_space<vmem>>)
            tpu.yield
          }) : () -> ()
          "tpu.region"() ({
            %run_scoped3A = tpu.sem_alloc : memref<!tpu.dma_semaphore, #tpu.memory_space<semaphore_mem>>
            %dma_start3A_55 = tpu.memref_slice %arg4[%add3A_51] : memref<322560xi32, #tpu.memory_space<hbm>> -> memref<112xi32, #tpu.memory_space<hbm>>
            %dma_start3A_56 = tpu.memref_slice %arg4[%add3A_51] : memref<322560xi32, #tpu.memory_space<hbm>> -> memref<112xi32, #tpu.memory_space<hbm>>
            tpu.enqueue_dma source(%dma_start3A_56 : memref<112xi32, #tpu.memory_space<hbm>>) target(%arg8 : memref<112xi32, #tpu.memory_space<vmem>>) target_semaphore(%run_scoped3A : memref<!tpu.dma_semaphore, #tpu.memory_space<semaphore_mem>>)
            %dma_wait3A_57 = tpu.memref_slice %arg4[%add3A_51] : memref<322560xi32, #tpu.memory_space<hbm>> -> memref<112xi32, #tpu.memory_space<hbm>>
            %dma_wait3A_58 = tpu.memref_slice %arg4[%add3A_51] : memref<322560xi32, #tpu.memory_space<hbm>> -> memref<112xi32, #tpu.memory_space<hbm>>
            tpu.wait_dma2 semaphore(%run_scoped3A : memref<!tpu.dma_semaphore, #tpu.memory_space<semaphore_mem>>) src(%dma_wait3A_58 : memref<112xi32, #tpu.memory_space<hbm>>) dst(%arg8 : memref<112xi32, #tpu.memory_space<vmem>>)
            tpu.yield
          }) : () -> ()
          %dma_start3A_52 = arith.constant 0 : i32
          %dma_start3A_53 = arith.constant 0 : i32
          %dma_start3A_54 = tpu.memref_slice %arg2[%dma_start3A_52, %dma_start3A_53] : memref<10000x128xf32, #tpu.memory_space<hbm>> -> memref<10000x128xf32, #tpu.memory_space<hbm>>
          tpu.enqueue_indirect_dma source(%dma_start3A_54 : memref<10000x128xf32, #tpu.memory_space<hbm>>) target(%arg11 : memref<112x128xf32, #tpu.memory_space<vmem>>) offsets(%arg7 : memref<112xi32, #tpu.memory_space<vmem>>) semaphore(%arg14 : memref<!tpu.dma_semaphore, #tpu.memory_space<semaphore_mem>>)
        } else {
        }
        %dma_wait3A_42 = arith.constant 0 : i32
        %dma_wait3A_43 = arith.constant 0 : i32
        %dma_wait3A_44 = tpu.memref_slice %arg2[%dma_wait3A_42, %dma_wait3A_43] : memref<10000x128xf32, #tpu.memory_space<hbm>> -> memref<10000x128xf32, #tpu.memory_space<hbm>>
        tpu.wait_indirect_dma semaphore(%arg15 : memref<!tpu.dma_semaphore, #tpu.memory_space<semaphore_mem>>) src(%dma_wait3A_44 : memref<10000x128xf32, #tpu.memory_space<hbm>>) dst(%arg12 : memref<112x128xf32, #tpu.memory_space<vmem>>)
        "tpu.region"() ({
          %run_scoped3A = tpu.sem_alloc : memref<!tpu.dma_semaphore, #tpu.memory_space<semaphore_mem>>
          %dma_start3A_45 = arith.constant 0 : i32
          %dma_start3A_46 = arith.constant 0 : i32
          %dma_start3A_47 = tpu.memref_slice %arg13[%dma_start3A_45, %dma_start3A_46] : memref<10112x128xf32, #tpu.memory_space<vmem_shared>> -> memref<10112x128xf32, #tpu.memory_space<vmem_shared>>
          tpu.enqueue_indirect_dma source(%arg12 : memref<112x128xf32, #tpu.memory_space<vmem>>) target(%dma_start3A_47 : memref<10112x128xf32, #tpu.memory_space<vmem_shared>>) offsets(%arg10 : memref<112xi32, #tpu.memory_space<vmem>>) semaphore(%run_scoped3A : memref<!tpu.dma_semaphore, #tpu.memory_space<semaphore_mem>>) {add = true}
          %dma_wait3A_48 = arith.constant 0 : i32
          %dma_wait3A_49 = arith.constant 0 : i32
          %dma_wait3A_50 = tpu.memref_slice %arg13[%dma_wait3A_48, %dma_wait3A_49] : memref<10112x128xf32, #tpu.memory_space<vmem_shared>> -> memref<10112x128xf32, #tpu.memory_space<vmem_shared>>
          tpu.wait_indirect_dma semaphore(%run_scoped3A : memref<!tpu.dma_semaphore, #tpu.memory_space<semaphore_mem>>) src(%arg12 : memref<112x128xf32, #tpu.memory_space<vmem>>) dst(%dma_wait3A_50 : memref<10112x128xf32, #tpu.memory_space<vmem_shared>>)
          tpu.yield
        }) : () -> ()
      }
      %scan3A_23 = arith.constant 56 : i32
    } else {
    }
    %eq3A_5 = arith.constant 1 : i32
    %eq3A_6 = arith.cmpi eq, %arg0, %eq3A_5 : i32
    %convert_element_type3A_7 = arith.extui %eq3A_6 : i1 to i32
    %cond3A_8 = arith.constant 0 : i32
    %cond3A_9 = arith.cmpi ne, %convert_element_type3A_7, %cond3A_8 : i32
    scf.if %cond3A_9 {
      %mul3A_15 = arith.constant 7616 : i32
      %mul3A_16 = arith.muli %arg1, %mul3A_15 : i32
      %add3A = arith.constant 200704 : i32
      %add3A_17 = arith.addi %add3A, %mul3A_16 : i32
      "tpu.region"() ({
        %run_scoped3A = tpu.sem_alloc : memref<!tpu.dma_semaphore, #tpu.memory_space<semaphore_mem>>
        %dma_start3A_25 = tpu.memref_slice %arg3[%add3A_17] : memref<322560xi32, #tpu.memory_space<hbm>> -> memref<112xi32, #tpu.memory_space<hbm>>
        %dma_start3A_26 = tpu.memref_slice %arg3[%add3A_17] : memref<322560xi32, #tpu.memory_space<hbm>> -> memref<112xi32, #tpu.memory_space<hbm>>
        tpu.enqueue_dma source(%dma_start3A_26 : memref<112xi32, #tpu.memory_space<hbm>>) target(%arg7 : memref<112xi32, #tpu.memory_space<vmem>>) target_semaphore(%run_scoped3A : memref<!tpu.dma_semaphore, #tpu.memory_space<semaphore_mem>>)
        %dma_wait3A = tpu.memref_slice %arg3[%add3A_17] : memref<322560xi32, #tpu.memory_space<hbm>> -> memref<112xi32, #tpu.memory_space<hbm>>
        %dma_wait3A_27 = tpu.memref_slice %arg3[%add3A_17] : memref<322560xi32, #tpu.memory_space<hbm>> -> memref<112xi32, #tpu.memory_space<hbm>>
        tpu.wait_dma2 semaphore(%run_scoped3A : memref<!tpu.dma_semaphore, #tpu.memory_space<semaphore_mem>>) src(%dma_wait3A_27 : memref<112xi32, #tpu.memory_space<hbm>>) dst(%arg7 : memref<112xi32, #tpu.memory_space<vmem>>)
        tpu.yield
      }) : () -> ()
      "tpu.region"() ({
        %run_scoped3A = tpu.sem_alloc : memref<!tpu.dma_semaphore, #tpu.memory_space<semaphore_mem>>
        %dma_start3A_25 = tpu.memref_slice %arg4[%add3A_17] : memref<322560xi32, #tpu.memory_space<hbm>> -> memref<112xi32, #tpu.memory_space<hbm>>
        %dma_start3A_26 = tpu.memref_slice %arg4[%add3A_17] : memref<322560xi32, #tpu.memory_space<hbm>> -> memref<112xi32, #tpu.memory_space<hbm>>
        tpu.enqueue_dma source(%dma_start3A_26 : memref<112xi32, #tpu.memory_space<hbm>>) target(%arg8 : memref<112xi32, #tpu.memory_space<vmem>>) target_semaphore(%run_scoped3A : memref<!tpu.dma_semaphore, #tpu.memory_space<semaphore_mem>>)
        %dma_wait3A = tpu.memref_slice %arg4[%add3A_17] : memref<322560xi32, #tpu.memory_space<hbm>> -> memref<112xi32, #tpu.memory_space<hbm>>
        %dma_wait3A_27 = tpu.memref_slice %arg4[%add3A_17] : memref<322560xi32, #tpu.memory_space<hbm>> -> memref<112xi32, #tpu.memory_space<hbm>>
        tpu.wait_dma2 semaphore(%run_scoped3A : memref<!tpu.dma_semaphore, #tpu.memory_space<semaphore_mem>>) src(%dma_wait3A_27 : memref<112xi32, #tpu.memory_space<hbm>>) dst(%arg8 : memref<112xi32, #tpu.memory_space<vmem>>)
        tpu.yield
      }) : () -> ()
      %dma_start3A = arith.constant 0 : i32
      %dma_start3A_18 = arith.constant 0 : i32
      %dma_start3A_19 = tpu.memref_slice %arg2[%dma_start3A, %dma_start3A_18] : memref<10000x128xf32, #tpu.memory_space<hbm>> -> memref<10000x128xf32, #tpu.memory_space<hbm>>
      tpu.enqueue_indirect_dma source(%dma_start3A_19 : memref<10000x128xf32, #tpu.memory_space<hbm>>) target(%arg11 : memref<112x128xf32, #tpu.memory_space<vmem>>) offsets(%arg7 : memref<112xi32, #tpu.memory_space<vmem>>) semaphore(%arg14 : memref<!tpu.dma_semaphore, #tpu.memory_space<semaphore_mem>>)
      %scan3A = arith.constant 0 : i32
      %scan3A_20 = arith.constant 0 : i32
      %scan3A_21 = arith.constant 34 : i32
      %scan3A_22 = arith.addi %scan3A_20, %scan3A_21 : i32
      %scan3A_23 = arith.constant 1 : i32
      scf.for %scan3A_25 = %scan3A_20 to %scan3A_22 step %scan3A_23  : i32 {
        %mul3A_26 = arith.constant 2 : i32
        %mul3A_27 = arith.muli %mul3A_26, %scan3A_25 : i32
        %add3A_28 = arith.constant 1 : i32
        %add3A_29 = arith.addi %mul3A_27, %add3A_28 : i32
        %mul3A_30 = arith.constant 112 : i32
        %mul3A_31 = arith.muli %add3A_29, %mul3A_30 : i32
        %add3A_32 = arith.addi %add3A_17, %mul3A_31 : i32
        "tpu.region"() ({
          %run_scoped3A = tpu.sem_alloc : memref<!tpu.dma_semaphore, #tpu.memory_space<semaphore_mem>>
          %dma_start3A_47 = tpu.memref_slice %arg3[%add3A_32] : memref<322560xi32, #tpu.memory_space<hbm>> -> memref<112xi32, #tpu.memory_space<hbm>>
          %dma_start3A_48 = tpu.memref_slice %arg3[%add3A_32] : memref<322560xi32, #tpu.memory_space<hbm>> -> memref<112xi32, #tpu.memory_space<hbm>>
          tpu.enqueue_dma source(%dma_start3A_48 : memref<112xi32, #tpu.memory_space<hbm>>) target(%arg9 : memref<112xi32, #tpu.memory_space<vmem>>) target_semaphore(%run_scoped3A : memref<!tpu.dma_semaphore, #tpu.memory_space<semaphore_mem>>)
          %dma_wait3A_49 = tpu.memref_slice %arg3[%add3A_32] : memref<322560xi32, #tpu.memory_space<hbm>> -> memref<112xi32, #tpu.memory_space<hbm>>
          %dma_wait3A_50 = tpu.memref_slice %arg3[%add3A_32] : memref<322560xi32, #tpu.memory_space<hbm>> -> memref<112xi32, #tpu.memory_space<hbm>>
          tpu.wait_dma2 semaphore(%run_scoped3A : memref<!tpu.dma_semaphore, #tpu.memory_space<semaphore_mem>>) src(%dma_wait3A_50 : memref<112xi32, #tpu.memory_space<hbm>>) dst(%arg9 : memref<112xi32, #tpu.memory_space<vmem>>)
          tpu.yield
        }) : () -> ()
        "tpu.region"() ({
          %run_scoped3A = tpu.sem_alloc : memref<!tpu.dma_semaphore, #tpu.memory_space<semaphore_mem>>
          %dma_start3A_47 = tpu.memref_slice %arg4[%add3A_32] : memref<322560xi32, #tpu.memory_space<hbm>> -> memref<112xi32, #tpu.memory_space<hbm>>
          %dma_start3A_48 = tpu.memref_slice %arg4[%add3A_32] : memref<322560xi32, #tpu.memory_space<hbm>> -> memref<112xi32, #tpu.memory_space<hbm>>
          tpu.enqueue_dma source(%dma_start3A_48 : memref<112xi32, #tpu.memory_space<hbm>>) target(%arg10 : memref<112xi32, #tpu.memory_space<vmem>>) target_semaphore(%run_scoped3A : memref<!tpu.dma_semaphore, #tpu.memory_space<semaphore_mem>>)
          %dma_wait3A_49 = tpu.memref_slice %arg4[%add3A_32] : memref<322560xi32, #tpu.memory_space<hbm>> -> memref<112xi32, #tpu.memory_space<hbm>>
          %dma_wait3A_50 = tpu.memref_slice %arg4[%add3A_32] : memref<322560xi32, #tpu.memory_space<hbm>> -> memref<112xi32, #tpu.memory_space<hbm>>
          tpu.wait_dma2 semaphore(%run_scoped3A : memref<!tpu.dma_semaphore, #tpu.memory_space<semaphore_mem>>) src(%dma_wait3A_50 : memref<112xi32, #tpu.memory_space<hbm>>) dst(%arg10 : memref<112xi32, #tpu.memory_space<vmem>>)
          tpu.yield
        }) : () -> ()
        %dma_start3A_33 = arith.constant 0 : i32
        %dma_start3A_34 = arith.constant 0 : i32
        %dma_start3A_35 = tpu.memref_slice %arg2[%dma_start3A_33, %dma_start3A_34] : memref<10000x128xf32, #tpu.memory_space<hbm>> -> memref<10000x128xf32, #tpu.memory_space<hbm>>
        tpu.enqueue_indirect_dma source(%dma_start3A_35 : memref<10000x128xf32, #tpu.memory_space<hbm>>) target(%arg12 : memref<112x128xf32, #tpu.memory_space<vmem>>) offsets(%arg9 : memref<112xi32, #tpu.memory_space<vmem>>) semaphore(%arg15 : memref<!tpu.dma_semaphore, #tpu.memory_space<semaphore_mem>>)
        %dma_wait3A = arith.constant 0 : i32
        %dma_wait3A_36 = arith.constant 0 : i32
        %dma_wait3A_37 = tpu.memref_slice %arg2[%dma_wait3A, %dma_wait3A_36] : memref<10000x128xf32, #tpu.memory_space<hbm>> -> memref<10000x128xf32, #tpu.memory_space<hbm>>
        tpu.wait_indirect_dma semaphore(%arg14 : memref<!tpu.dma_semaphore, #tpu.memory_space<semaphore_mem>>) src(%dma_wait3A_37 : memref<10000x128xf32, #tpu.memory_space<hbm>>) dst(%arg11 : memref<112x128xf32, #tpu.memory_space<vmem>>)
        "tpu.region"() ({
          %run_scoped3A = tpu.sem_alloc : memref<!tpu.dma_semaphore, #tpu.memory_space<semaphore_mem>>
          %dma_start3A_47 = arith.constant 0 : i32
          %dma_start3A_48 = arith.constant 0 : i32
          %dma_start3A_49 = tpu.memref_slice %arg13[%dma_start3A_47, %dma_start3A_48] : memref<10112x128xf32, #tpu.memory_space<vmem_shared>> -> memref<10112x128xf32, #tpu.memory_space<vmem_shared>>
          tpu.enqueue_indirect_dma source(%arg11 : memref<112x128xf32, #tpu.memory_space<vmem>>) target(%dma_start3A_49 : memref<10112x128xf32, #tpu.memory_space<vmem_shared>>) offsets(%arg8 : memref<112xi32, #tpu.memory_space<vmem>>) semaphore(%run_scoped3A : memref<!tpu.dma_semaphore, #tpu.memory_space<semaphore_mem>>) {add = true}
          %dma_wait3A_50 = arith.constant 0 : i32
          %dma_wait3A_51 = arith.constant 0 : i32
          %dma_wait3A_52 = tpu.memref_slice %arg13[%dma_wait3A_50, %dma_wait3A_51] : memref<10112x128xf32, #tpu.memory_space<vmem_shared>> -> memref<10112x128xf32, #tpu.memory_space<vmem_shared>>
          tpu.wait_indirect_dma semaphore(%run_scoped3A : memref<!tpu.dma_semaphore, #tpu.memory_space<semaphore_mem>>) src(%arg11 : memref<112x128xf32, #tpu.memory_space<vmem>>) dst(%dma_wait3A_52 : memref<10112x128xf32, #tpu.memory_space<vmem_shared>>)
          tpu.yield
        }) : () -> ()
        %add3A_38 = arith.constant 1 : i32
        %add3A_39 = arith.addi %scan3A_25, %add3A_38 : i32
        %lt3A = arith.constant 34 : i32
        %lt3A_40 = arith.cmpi slt, %add3A_39, %lt3A : i32
        %convert_element_type3A_41 = arith.extui %lt3A_40 : i1 to i32
        %cond3A_42 = arith.constant 0 : i32
        %cond3A_43 = arith.cmpi ne, %convert_element_type3A_41, %cond3A_42 : i32
        scf.if %cond3A_43 {
          %mul3A_47 = arith.constant 2 : i32
          %mul3A_48 = arith.muli %mul3A_47, %scan3A_25 : i32
          %add3A_49 = arith.constant 2 : i32
          %add3A_50 = arith.addi %mul3A_48, %add3A_49 : i32
          %mul3A_51 = arith.constant 112 : i32
          %mul3A_52 = arith.muli %add3A_50, %mul3A_51 : i32
          %add3A_53 = arith.addi %add3A_17, %mul3A_52 : i32
          "tpu.region"() ({
            %run_scoped3A = tpu.sem_alloc : memref<!tpu.dma_semaphore, #tpu.memory_space<semaphore_mem>>
            %dma_start3A_57 = tpu.memref_slice %arg3[%add3A_53] : memref<322560xi32, #tpu.memory_space<hbm>> -> memref<112xi32, #tpu.memory_space<hbm>>
            %dma_start3A_58 = tpu.memref_slice %arg3[%add3A_53] : memref<322560xi32, #tpu.memory_space<hbm>> -> memref<112xi32, #tpu.memory_space<hbm>>
            tpu.enqueue_dma source(%dma_start3A_58 : memref<112xi32, #tpu.memory_space<hbm>>) target(%arg7 : memref<112xi32, #tpu.memory_space<vmem>>) target_semaphore(%run_scoped3A : memref<!tpu.dma_semaphore, #tpu.memory_space<semaphore_mem>>)
            %dma_wait3A_59 = tpu.memref_slice %arg3[%add3A_53] : memref<322560xi32, #tpu.memory_space<hbm>> -> memref<112xi32, #tpu.memory_space<hbm>>
            %dma_wait3A_60 = tpu.memref_slice %arg3[%add3A_53] : memref<322560xi32, #tpu.memory_space<hbm>> -> memref<112xi32, #tpu.memory_space<hbm>>
            tpu.wait_dma2 semaphore(%run_scoped3A : memref<!tpu.dma_semaphore, #tpu.memory_space<semaphore_mem>>) src(%dma_wait3A_60 : memref<112xi32, #tpu.memory_space<hbm>>) dst(%arg7 : memref<112xi32, #tpu.memory_space<vmem>>)
            tpu.yield
          }) : () -> ()
          "tpu.region"() ({
            %run_scoped3A = tpu.sem_alloc : memref<!tpu.dma_semaphore, #tpu.memory_space<semaphore_mem>>
            %dma_start3A_57 = tpu.memref_slice %arg4[%add3A_53] : memref<322560xi32, #tpu.memory_space<hbm>> -> memref<112xi32, #tpu.memory_space<hbm>>
            %dma_start3A_58 = tpu.memref_slice %arg4[%add3A_53] : memref<322560xi32, #tpu.memory_space<hbm>> -> memref<112xi32, #tpu.memory_space<hbm>>
            tpu.enqueue_dma source(%dma_start3A_58 : memref<112xi32, #tpu.memory_space<hbm>>) target(%arg8 : memref<112xi32, #tpu.memory_space<vmem>>) target_semaphore(%run_scoped3A : memref<!tpu.dma_semaphore, #tpu.memory_space<semaphore_mem>>)
            %dma_wait3A_59 = tpu.memref_slice %arg4[%add3A_53] : memref<322560xi32, #tpu.memory_space<hbm>> -> memref<112xi32, #tpu.memory_space<hbm>>
            %dma_wait3A_60 = tpu.memref_slice %arg4[%add3A_53] : memref<322560xi32, #tpu.memory_space<hbm>> -> memref<112xi32, #tpu.memory_space<hbm>>
            tpu.wait_dma2 semaphore(%run_scoped3A : memref<!tpu.dma_semaphore, #tpu.memory_space<semaphore_mem>>) src(%dma_wait3A_60 : memref<112xi32, #tpu.memory_space<hbm>>) dst(%arg8 : memref<112xi32, #tpu.memory_space<vmem>>)
            tpu.yield
          }) : () -> ()
          %dma_start3A_54 = arith.constant 0 : i32
          %dma_start3A_55 = arith.constant 0 : i32
          %dma_start3A_56 = tpu.memref_slice %arg2[%dma_start3A_54, %dma_start3A_55] : memref<10000x128xf32, #tpu.memory_space<hbm>> -> memref<10000x128xf32, #tpu.memory_space<hbm>>
          tpu.enqueue_indirect_dma source(%dma_start3A_56 : memref<10000x128xf32, #tpu.memory_space<hbm>>) target(%arg11 : memref<112x128xf32, #tpu.memory_space<vmem>>) offsets(%arg7 : memref<112xi32, #tpu.memory_space<vmem>>) semaphore(%arg14 : memref<!tpu.dma_semaphore, #tpu.memory_space<semaphore_mem>>)
        } else {
        }
        %dma_wait3A_44 = arith.constant 0 : i32
        %dma_wait3A_45 = arith.constant 0 : i32
        %dma_wait3A_46 = tpu.memref_slice %arg2[%dma_wait3A_44, %dma_wait3A_45] : memref<10000x128xf32, #tpu.memory_space<hbm>> -> memref<10000x128xf32, #tpu.memory_space<hbm>>
        tpu.wait_indirect_dma semaphore(%arg15 : memref<!tpu.dma_semaphore, #tpu.memory_space<semaphore_mem>>) src(%dma_wait3A_46 : memref<10000x128xf32, #tpu.memory_space<hbm>>) dst(%arg12 : memref<112x128xf32, #tpu.memory_space<vmem>>)
        "tpu.region"() ({
          %run_scoped3A = tpu.sem_alloc : memref<!tpu.dma_semaphore, #tpu.memory_space<semaphore_mem>>
          %dma_start3A_47 = arith.constant 0 : i32
          %dma_start3A_48 = arith.constant 0 : i32
          %dma_start3A_49 = tpu.memref_slice %arg13[%dma_start3A_47, %dma_start3A_48] : memref<10112x128xf32, #tpu.memory_space<vmem_shared>> -> memref<10112x128xf32, #tpu.memory_space<vmem_shared>>
          tpu.enqueue_indirect_dma source(%arg12 : memref<112x128xf32, #tpu.memory_space<vmem>>) target(%dma_start3A_49 : memref<10112x128xf32, #tpu.memory_space<vmem_shared>>) offsets(%arg10 : memref<112xi32, #tpu.memory_space<vmem>>) semaphore(%run_scoped3A : memref<!tpu.dma_semaphore, #tpu.memory_space<semaphore_mem>>) {add = true}
          %dma_wait3A_50 = arith.constant 0 : i32
          %dma_wait3A_51 = arith.constant 0 : i32
          %dma_wait3A_52 = tpu.memref_slice %arg13[%dma_wait3A_50, %dma_wait3A_51] : memref<10112x128xf32, #tpu.memory_space<vmem_shared>> -> memref<10112x128xf32, #tpu.memory_space<vmem_shared>>
          tpu.wait_indirect_dma semaphore(%run_scoped3A : memref<!tpu.dma_semaphore, #tpu.memory_space<semaphore_mem>>) src(%arg12 : memref<112x128xf32, #tpu.memory_space<vmem>>) dst(%dma_wait3A_52 : memref<10112x128xf32, #tpu.memory_space<vmem_shared>>)
          tpu.yield
        }) : () -> ()
      }
      %scan3A_24 = arith.constant 34 : i32
    } else {
    }
    %barrier3A_10 = arith.constant 0 : index
    tpu.barrier barrier_id(%barrier3A_10)
    %mul3A_11 = arith.constant 632 : i32
    %mul3A_12 = arith.muli %arg1, %mul3A_11 : i32
    %mul3A_13 = arith.constant 632 : i32
    %mul3A_14 = arith.muli %arg1, %mul3A_13 : i32
    "tpu.region"() ({
      %run_scoped3A = tpu.sem_alloc : memref<!tpu.dma_semaphore, #tpu.memory_space<semaphore_mem>>
      %dma_start3A = arith.constant 0 : i32
      %dma_start3A_15 = tpu.memref_slice %arg6[%arg0, %mul3A_14, %dma_start3A] : memref<2x10112x128xf32, #tpu.memory_space<hbm>> -> memref<1x632x128xf32, #tpu.memory_space<hbm>>
      %dma_start3A_16 = tpu.memref_squeeze %dma_start3A_15 : memref<1x632x128xf32, #tpu.memory_space<hbm>> -> memref<632x128xf32, #tpu.memory_space<hbm>>
      %dma_start3A_17 = arith.constant 0 : i32
      %dma_start3A_18 = tpu.memref_slice %arg13[%mul3A_12, %dma_start3A_17] : memref<10112x128xf32, #tpu.memory_space<vmem_shared>> -> memref<632x128xf32, #tpu.memory_space<vmem_shared>>
      tpu.enqueue_dma source(%dma_start3A_18 : memref<632x128xf32, #tpu.memory_space<vmem_shared>>) target(%dma_start3A_16 : memref<632x128xf32, #tpu.memory_space<hbm>>) target_semaphore(%run_scoped3A : memref<!tpu.dma_semaphore, #tpu.memory_space<semaphore_mem>>)
      %dma_wait3A = arith.constant 0 : i32
      %dma_wait3A_19 = tpu.memref_slice %arg6[%arg0, %mul3A_14, %dma_wait3A] : memref<2x10112x128xf32, #tpu.memory_space<hbm>> -> memref<1x632x128xf32, #tpu.memory_space<hbm>>
      %dma_wait3A_20 = tpu.memref_squeeze %dma_wait3A_19 : memref<1x632x128xf32, #tpu.memory_space<hbm>> -> memref<632x128xf32, #tpu.memory_space<hbm>>
      %dma_wait3A_21 = arith.constant 0 : i32
      %dma_wait3A_22 = tpu.memref_slice %arg13[%mul3A_12, %dma_wait3A_21] : memref<10112x128xf32, #tpu.memory_space<vmem_shared>> -> memref<632x128xf32, #tpu.memory_space<vmem_shared>>
      tpu.wait_dma2 semaphore(%run_scoped3A : memref<!tpu.dma_semaphore, #tpu.memory_space<semaphore_mem>>) src(%dma_wait3A_22 : memref<632x128xf32, #tpu.memory_space<vmem_shared>>) dst(%dma_wait3A_20 : memref<632x128xf32, #tpu.memory_space<hbm>>)
      tpu.yield
    }) : () -> ()
    return
  }
}

#map = affine_map<(d0, d1) -> (0, 0, 0)>
#map1 = affine_map<(d0, d1) -> (0, 0)>
module attributes {stable_mosaic.version = 14 : i64} {
  func.func @_sc_degree(%arg0: i32, %arg1: i32, %arg2: memref<32x90x112xi32, #tpu.memory_space<hbm>>, %arg3: memref<112x128xf32, #tpu.memory_space<hbm>>, %arg4: memref<10112x128xf32, #tpu.memory_space<hbm>>, %arg5: memref<2x10112x128xf32, #tpu.memory_space<hbm>>, %arg6: memref<90x112xi32, #tpu.memory_space<vmem>>, %arg7: memref<112x128xf32, #tpu.memory_space<vmem>>, %arg8: memref<10112x128xf32, #tpu.memory_space<vmem_shared>>, %arg9: memref<!tpu.dma_semaphore, #tpu.memory_space<semaphore_mem>>) attributes {dimension_semantics = [#tpu.dimension_semantics<core_parallel>, #tpu.dimension_semantics<subcore_parallel>], iteration_bounds = array<i64: 2, 16>, scalar_prefetch = 0 : i64, scratch_operands = 4 : i64, tpu.core_type = #tpu.core_type<sc_vector_subcore>, window_params = [{transform_indices = #map}, {transform_indices = #map1}, {transform_indices = #map1}, {transform_indices = #map}]} {
    %mul3A = arith.constant 2 : i32
    %mul3A_0 = arith.muli %arg1, %mul3A : i32
    %add3A = arith.addi %mul3A_0, %arg0 : i32
    "tpu.region"() ({
      %run_scoped3A = tpu.sem_alloc : memref<!tpu.dma_semaphore, #tpu.memory_space<semaphore_mem>>
      tpu.enqueue_dma source(%arg3 : memref<112x128xf32, #tpu.memory_space<hbm>>) target(%arg7 : memref<112x128xf32, #tpu.memory_space<vmem>>) target_semaphore(%run_scoped3A : memref<!tpu.dma_semaphore, #tpu.memory_space<semaphore_mem>>)
      tpu.wait_dma2 semaphore(%run_scoped3A : memref<!tpu.dma_semaphore, #tpu.memory_space<semaphore_mem>>) src(%arg3 : memref<112x128xf32, #tpu.memory_space<hbm>>) dst(%arg7 : memref<112x128xf32, #tpu.memory_space<vmem>>)
      tpu.yield
    }) : () -> ()
    "tpu.region"() ({
      %run_scoped3A = tpu.sem_alloc : memref<!tpu.dma_semaphore, #tpu.memory_space<semaphore_mem>>
      %dma_start3A = arith.constant 0 : i32
      %dma_start3A_15 = arith.constant 0 : i32
      %dma_start3A_16 = tpu.memref_slice %arg2[%add3A, %dma_start3A, %dma_start3A_15] : memref<32x90x112xi32, #tpu.memory_space<hbm>> -> memref<1x90x112xi32, #tpu.memory_space<hbm>>
      %dma_start3A_17 = tpu.memref_squeeze %dma_start3A_16 : memref<1x90x112xi32, #tpu.memory_space<hbm>> -> memref<90x112xi32, #tpu.memory_space<hbm>>
      %dma_start3A_18 = arith.constant 0 : i32
      %dma_start3A_19 = arith.constant 0 : i32
      %dma_start3A_20 = tpu.memref_slice %arg2[%add3A, %dma_start3A_18, %dma_start3A_19] : memref<32x90x112xi32, #tpu.memory_space<hbm>> -> memref<1x90x112xi32, #tpu.memory_space<hbm>>
      %dma_start3A_21 = tpu.memref_squeeze %dma_start3A_20 : memref<1x90x112xi32, #tpu.memory_space<hbm>> -> memref<90x112xi32, #tpu.memory_space<hbm>>
      tpu.enqueue_dma source(%dma_start3A_21 : memref<90x112xi32, #tpu.memory_space<hbm>>) target(%arg6 : memref<90x112xi32, #tpu.memory_space<vmem>>) target_semaphore(%run_scoped3A : memref<!tpu.dma_semaphore, #tpu.memory_space<semaphore_mem>>)
      %dma_wait3A = arith.constant 0 : i32
      %dma_wait3A_22 = arith.constant 0 : i32
      %dma_wait3A_23 = tpu.memref_slice %arg2[%add3A, %dma_wait3A, %dma_wait3A_22] : memref<32x90x112xi32, #tpu.memory_space<hbm>> -> memref<1x90x112xi32, #tpu.memory_space<hbm>>
      %dma_wait3A_24 = tpu.memref_squeeze %dma_wait3A_23 : memref<1x90x112xi32, #tpu.memory_space<hbm>> -> memref<90x112xi32, #tpu.memory_space<hbm>>
      %dma_wait3A_25 = arith.constant 0 : i32
      %dma_wait3A_26 = arith.constant 0 : i32
      %dma_wait3A_27 = tpu.memref_slice %arg2[%add3A, %dma_wait3A_25, %dma_wait3A_26] : memref<32x90x112xi32, #tpu.memory_space<hbm>> -> memref<1x90x112xi32, #tpu.memory_space<hbm>>
      %dma_wait3A_28 = tpu.memref_squeeze %dma_wait3A_27 : memref<1x90x112xi32, #tpu.memory_space<hbm>> -> memref<90x112xi32, #tpu.memory_space<hbm>>
      tpu.wait_dma2 semaphore(%run_scoped3A : memref<!tpu.dma_semaphore, #tpu.memory_space<semaphore_mem>>) src(%dma_wait3A_28 : memref<90x112xi32, #tpu.memory_space<hbm>>) dst(%arg6 : memref<90x112xi32, #tpu.memory_space<vmem>>)
      tpu.yield
    }) : () -> ()
    %mul3A_1 = arith.constant 632 : i32
    %mul3A_2 = arith.muli %arg1, %mul3A_1 : i32
    %mul3A_3 = arith.constant 632 : i32
    %mul3A_4 = arith.muli %arg1, %mul3A_3 : i32
    "tpu.region"() ({
      %run_scoped3A = tpu.sem_alloc : memref<!tpu.dma_semaphore, #tpu.memory_space<semaphore_mem>>
      %dma_start3A = arith.constant 0 : i32
      %dma_start3A_15 = tpu.memref_slice %arg8[%mul3A_4, %dma_start3A] : memref<10112x128xf32, #tpu.memory_space<vmem_shared>> -> memref<632x128xf32, #tpu.memory_space<vmem_shared>>
      %dma_start3A_16 = arith.constant 0 : i32
      %dma_start3A_17 = tpu.memref_slice %arg4[%mul3A_2, %dma_start3A_16] : memref<10112x128xf32, #tpu.memory_space<hbm>> -> memref<632x128xf32, #tpu.memory_space<hbm>>
      tpu.enqueue_dma source(%dma_start3A_17 : memref<632x128xf32, #tpu.memory_space<hbm>>) target(%dma_start3A_15 : memref<632x128xf32, #tpu.memory_space<vmem_shared>>) target_semaphore(%run_scoped3A : memref<!tpu.dma_semaphore, #tpu.memory_space<semaphore_mem>>)
      %dma_wait3A = arith.constant 0 : i32
      %dma_wait3A_18 = tpu.memref_slice %arg8[%mul3A_4, %dma_wait3A] : memref<10112x128xf32, #tpu.memory_space<vmem_shared>> -> memref<632x128xf32, #tpu.memory_space<vmem_shared>>
      %dma_wait3A_19 = arith.constant 0 : i32
      %dma_wait3A_20 = tpu.memref_slice %arg4[%mul3A_2, %dma_wait3A_19] : memref<10112x128xf32, #tpu.memory_space<hbm>> -> memref<632x128xf32, #tpu.memory_space<hbm>>
      tpu.wait_dma2 semaphore(%run_scoped3A : memref<!tpu.dma_semaphore, #tpu.memory_space<semaphore_mem>>) src(%dma_wait3A_20 : memref<632x128xf32, #tpu.memory_space<hbm>>) dst(%dma_wait3A_18 : memref<632x128xf32, #tpu.memory_space<vmem_shared>>)
      tpu.yield
    }) : () -> ()
    %barrier3A = arith.constant 0 : index
    tpu.barrier barrier_id(%barrier3A)
    %scan3A = arith.constant 0 : i32
    %scan3A_5 = arith.constant 0 : i32
    %scan3A_6 = arith.constant 15 : i32
    %scan3A_7 = arith.addi %scan3A_5, %scan3A_6 : i32
    %scan3A_8 = arith.constant 1 : i32
    scf.for %scan3A_15 = %scan3A_5 to %scan3A_7 step %scan3A_8  : i32 {
      %scan3A_16 = arith.constant 0 : i32
      %scan3A_17 = arith.constant 0 : i32
      %scan3A_18 = arith.constant 6 : i32
      %scan3A_19 = arith.addi %scan3A_17, %scan3A_18 : i32
      %scan3A_20 = arith.constant 1 : i32
      scf.for %scan3A_28 = %scan3A_17 to %scan3A_19 step %scan3A_20  : i32 {
        %mul3A_29 = arith.constant 6 : i32
        %mul3A_30 = arith.muli %scan3A_15, %mul3A_29 : i32
        %add3A_31 = arith.addi %mul3A_30, %scan3A_28 : i32
        %dma_start3A = arith.constant 0 : i32
        %dma_start3A_32 = tpu.memref_slice %arg6[%add3A_31, %dma_start3A] : memref<90x112xi32, #tpu.memory_space<vmem>> -> memref<1x112xi32, #tpu.memory_space<vmem>>
        %dma_start3A_33 = tpu.memref_squeeze %dma_start3A_32 : memref<1x112xi32, #tpu.memory_space<vmem>> -> memref<112xi32, #tpu.memory_space<vmem>>
        %dma_start3A_34 = arith.constant 0 : i32
        %dma_start3A_35 = arith.constant 0 : i32
        %dma_start3A_36 = tpu.memref_slice %arg8[%dma_start3A_34, %dma_start3A_35] : memref<10112x128xf32, #tpu.memory_space<vmem_shared>> -> memref<10112x128xf32, #tpu.memory_space<vmem_shared>>
        tpu.enqueue_indirect_dma source(%arg7 : memref<112x128xf32, #tpu.memory_space<vmem>>) target(%dma_start3A_36 : memref<10112x128xf32, #tpu.memory_space<vmem_shared>>) offsets(%dma_start3A_33 : memref<112xi32, #tpu.memory_space<vmem>>) semaphore(%arg9 : memref<!tpu.dma_semaphore, #tpu.memory_space<semaphore_mem>>) {add = true}
      }
      %scan3A_21 = arith.constant 6 : i32
      %scan3A_22 = arith.constant 0 : i32
      %scan3A_23 = arith.constant 0 : i32
      %scan3A_24 = arith.constant 6 : i32
      %scan3A_25 = arith.addi %scan3A_23, %scan3A_24 : i32
      %scan3A_26 = arith.constant 1 : i32
      scf.for %scan3A_28 = %scan3A_23 to %scan3A_25 step %scan3A_26  : i32 {
        tpu.wait_dma2 semaphore(%arg9 : memref<!tpu.dma_semaphore, #tpu.memory_space<semaphore_mem>>) src(%arg3 : memref<112x128xf32, #tpu.memory_space<hbm>>) dst(%arg7 : memref<112x128xf32, #tpu.memory_space<vmem>>)
      }
      %scan3A_27 = arith.constant 6 : i32
    }
    %scan3A_9 = arith.constant 15 : i32
    %barrier3A_10 = arith.constant 0 : index
    tpu.barrier barrier_id(%barrier3A_10)
    %mul3A_11 = arith.constant 632 : i32
    %mul3A_12 = arith.muli %arg1, %mul3A_11 : i32
    %mul3A_13 = arith.constant 632 : i32
    %mul3A_14 = arith.muli %arg1, %mul3A_13 : i32
    "tpu.region"() ({
      %run_scoped3A = tpu.sem_alloc : memref<!tpu.dma_semaphore, #tpu.memory_space<semaphore_mem>>
      %dma_start3A = arith.constant 0 : i32
      %dma_start3A_15 = tpu.memref_slice %arg5[%arg0, %mul3A_14, %dma_start3A] : memref<2x10112x128xf32, #tpu.memory_space<hbm>> -> memref<1x632x128xf32, #tpu.memory_space<hbm>>
      %dma_start3A_16 = tpu.memref_squeeze %dma_start3A_15 : memref<1x632x128xf32, #tpu.memory_space<hbm>> -> memref<632x128xf32, #tpu.memory_space<hbm>>
      %dma_start3A_17 = arith.constant 0 : i32
      %dma_start3A_18 = tpu.memref_slice %arg8[%mul3A_12, %dma_start3A_17] : memref<10112x128xf32, #tpu.memory_space<vmem_shared>> -> memref<632x128xf32, #tpu.memory_space<vmem_shared>>
      tpu.enqueue_dma source(%dma_start3A_18 : memref<632x128xf32, #tpu.memory_space<vmem_shared>>) target(%dma_start3A_16 : memref<632x128xf32, #tpu.memory_space<hbm>>) target_semaphore(%run_scoped3A : memref<!tpu.dma_semaphore, #tpu.memory_space<semaphore_mem>>)
      %dma_wait3A = arith.constant 0 : i32
      %dma_wait3A_19 = tpu.memref_slice %arg5[%arg0, %mul3A_14, %dma_wait3A] : memref<2x10112x128xf32, #tpu.memory_space<hbm>> -> memref<1x632x128xf32, #tpu.memory_space<hbm>>
      %dma_wait3A_20 = tpu.memref_squeeze %dma_wait3A_19 : memref<1x632x128xf32, #tpu.memory_space<hbm>> -> memref<632x128xf32, #tpu.memory_space<hbm>>
      %dma_wait3A_21 = arith.constant 0 : i32
      %dma_wait3A_22 = tpu.memref_slice %arg8[%mul3A_12, %dma_wait3A_21] : memref<10112x128xf32, #tpu.memory_space<vmem_shared>> -> memref<632x128xf32, #tpu.memory_space<vmem_shared>>
      tpu.wait_dma2 semaphore(%run_scoped3A : memref<!tpu.dma_semaphore, #tpu.memory_space<semaphore_mem>>) src(%dma_wait3A_22 : memref<632x128xf32, #tpu.memory_space<vmem_shared>>) dst(%dma_wait3A_20 : memref<632x128xf32, #tpu.memory_space<hbm>>)
      tpu.yield
    }) : () -> ()
    return
  }
}

module attributes {stable_mosaic.version = 14 : i64} {
  func.func @_mm2_body(%arg0: i32, %arg1: memref<2x1000x128xf32, #tpu.memory_space<vmem>>, %arg2: memref<2x1000x128xf32, #tpu.memory_space<vmem>>, %arg3: memref<1000x128xf32, #tpu.memory_space<vmem>>, %arg4: memref<1x128xf32, #tpu.memory_space<vmem>>, %arg5: memref<128x128xf32, #tpu.memory_space<vmem>>, %arg6: memref<1000x128xf32, #tpu.memory_space<vmem>>) attributes {dimension_semantics = [#tpu.dimension_semantics<arbitrary>], iteration_bounds = array<i64: 10>, scalar_prefetch = 0 : i64, scratch_operands = 0 : i64, tpu.core_type = #tpu.core_type<tc>, window_params = [{transform_indices = @transform_0, window_bounds = array<i64: 2, 1000, 128>}, {transform_indices = @transform_1, window_bounds = array<i64: 2, 1000, 128>}, {transform_indices = @transform_2, window_bounds = array<i64: 1000, 128>}, {pipeline_mode = #tpu.pipeline_mode<synchronous>, transform_indices = @transform_3, window_bounds = array<i64: 1, 128>}, {pipeline_mode = #tpu.pipeline_mode<synchronous>, transform_indices = @transform_4, window_bounds = array<i64: 128, 128>}, {transform_indices = @transform_5, window_bounds = array<i64: 1000, 128>}]} {
    %get3A = arith.constant 0 : index
    %get3A_0 = arith.constant 0 : index
    %get3A_1 = arith.constant 0 : index
    %get3A_2 = vector.load %arg1[%get3A, %get3A_0, %get3A_1] : memref<2x1000x128xf32, #tpu.memory_space<vmem>>, vector<1x1000x128xf32>
    %get3A_3 = vector.shape_cast %get3A_2 : vector<1x1000x128xf32> to vector<1000x128xf32>
    %slice3A = vector.extract_strided_slice %get3A_3 {offsets = [0, 0], sizes = [1000, 1], strides = [1, 1]} : vector<1000x128xf32> to vector<1000x1xf32>
    %get3A_4 = arith.constant 1 : index
    %get3A_5 = arith.constant 0 : index
    %get3A_6 = arith.constant 0 : index
    %get3A_7 = vector.load %arg1[%get3A_4, %get3A_5, %get3A_6] : memref<2x1000x128xf32, #tpu.memory_space<vmem>>, vector<1x1000x128xf32>
    %get3A_8 = vector.shape_cast %get3A_7 : vector<1x1000x128xf32> to vector<1000x128xf32>
    %slice3A_9 = vector.extract_strided_slice %get3A_8 {offsets = [0, 0], sizes = [1000, 1], strides = [1, 1]} : vector<1000x128xf32> to vector<1000x1xf32>
    %add3A = arith.addf %slice3A, %slice3A_9 : vector<1000x1xf32>
    %add3A_10 = arith.constant 1.000000e+00 : f32
    %add3A_11 = vector.broadcast %add3A_10 : f32 to vector<1000x1xf32>
    %add3A_12 = arith.addf %add3A, %add3A_11 : vector<1000x1xf32>
    %rsqrt3A = math.rsqrt %add3A_12 : vector<1000x1xf32>
    %get3A_13 = arith.constant 0 : index
    %get3A_14 = arith.constant 0 : index
    %get3A_15 = arith.constant 0 : index
    %get3A_16 = vector.load %arg2[%get3A_13, %get3A_14, %get3A_15] : memref<2x1000x128xf32, #tpu.memory_space<vmem>>, vector<1x1000x128xf32>
    %get3A_17 = vector.shape_cast %get3A_16 : vector<1x1000x128xf32> to vector<1000x128xf32>
    %get3A_18 = arith.constant 1 : index
    %get3A_19 = arith.constant 0 : index
    %get3A_20 = arith.constant 0 : index
    %get3A_21 = vector.load %arg2[%get3A_18, %get3A_19, %get3A_20] : memref<2x1000x128xf32, #tpu.memory_space<vmem>>, vector<1x1000x128xf32>
    %get3A_22 = vector.shape_cast %get3A_21 : vector<1x1000x128xf32> to vector<1000x128xf32>
    %add3A_23 = arith.addf %get3A_17, %get3A_22 : vector<1000x128xf32>
    %get3A_24 = arith.constant 0 : index
    %get3A_25 = arith.constant 0 : index
    %get3A_26 = vector.load %arg3[%get3A_24, %get3A_25] : memref<1000x128xf32, #tpu.memory_space<vmem>>, vector<1000x128xf32>
    %add3A_27 = arith.addf %add3A_23, %get3A_26 : vector<1000x128xf32>
    %mul3A = vector.broadcast %rsqrt3A : vector<1000x1xf32> to vector<1000x128xf32>
    %mul3A_28 = arith.mulf %mul3A, %add3A_27 : vector<1000x128xf32>
    %get3A_29 = arith.constant 0 : index
    %get3A_30 = arith.constant 0 : index
    %get3A_31 = vector.load %arg4[%get3A_29, %get3A_30] : memref<1x128xf32, #tpu.memory_space<vmem>>, vector<1x128xf32>
    %add3A_32 = vector.broadcast %get3A_31 : vector<1x128xf32> to vector<1000x128xf32>
    %add3A_33 = arith.addf %mul3A_28, %add3A_32 : vector<1000x128xf32>
    %max3A = arith.constant 0.000000e+00 : f32
    %max3A_34 = vector.broadcast %max3A : f32 to vector<1000x128xf32>
    %max3A_35 = arith.maximumf %add3A_33, %max3A_34 : vector<1000x128xf32>
    %get3A_36 = arith.constant 0 : index
    %get3A_37 = arith.constant 0 : index
    %get3A_38 = vector.load %arg5[%get3A_36, %get3A_37] : memref<128x128xf32, #tpu.memory_space<vmem>>, vector<128x128xf32>
    %dot_general3A = arith.constant dense<0.000000e+00> : vector<1000x128xf32>
    %dot_general3A_39 = tpu.matmul %max3A_35, %get3A_38, %dot_general3A {dimension_numbers = #tpu.dot_dimension_numbers<[1], [0], [0], [1], [0, 0, 1, 1], [], []>, transpose_lhs_hint = false} : vector<1000x128xf32>, vector<128x128xf32>, vector<1000x128xf32> -> vector<1000x128xf32>
    %mul3A_40 = vector.broadcast %rsqrt3A : vector<1000x1xf32> to vector<1000x128xf32>
    %mul3A_41 = arith.mulf %mul3A_40, %dot_general3A_39 : vector<1000x128xf32>
    %swap3A = arith.constant 0 : index
    %swap3A_42 = arith.constant 0 : index
    %swap3A_43 = vector.load %arg6[%swap3A, %swap3A_42] : memref<1000x128xf32, #tpu.memory_space<vmem>>, vector<1000x128xf32>
    tpu.vector_store %arg6[%swap3A, %swap3A_42], %mul3A_41 {strides = array<i32>} : memref<1000x128xf32, #tpu.memory_space<vmem>>, vector<1000x128xf32>,
    return
  }
  func.func @transform_0(%arg0: i32) -> (i32, i32, i32) {
    %c0_i32 = arith.constant 0 : i32
    %c0_i32_0 = arith.constant 0 : i32
    %c0_i32_1 = arith.constant 0 : i32
    return %c0_i32, %arg0, %c0_i32_0 : i32, i32, i32
  }
  func.func @transform_1(%arg0: i32) -> (i32, i32, i32) {
    %c0_i32 = arith.constant 0 : i32
    %c0_i32_0 = arith.constant 0 : i32
    %c0_i32_1 = arith.constant 0 : i32
    return %c0_i32, %arg0, %c0_i32_0 : i32, i32, i32
  }
  func.func @transform_2(%arg0: i32) -> (i32, i32) {
    %c0_i32 = arith.constant 0 : i32
    %c0_i32_0 = arith.constant 0 : i32
    return %arg0, %c0_i32 : i32, i32
  }
  func.func @transform_3(%arg0: i32) -> (i32, i32) {
    %c0_i32 = arith.constant 0 : i32
    %c0_i32_0 = arith.constant 0 : i32
    %c0_i32_1 = arith.constant 0 : i32
    return %c0_i32, %c0_i32_0 : i32, i32
  }
  func.func @transform_4(%arg0: i32) -> (i32, i32) {
    %c0_i32 = arith.constant 0 : i32
    %c0_i32_0 = arith.constant 0 : i32
    %c0_i32_1 = arith.constant 0 : i32
    return %c0_i32, %c0_i32_0 : i32, i32
  }
  func.func @transform_5(%arg0: i32) -> (i32, i32) {
    %c0_i32 = arith.constant 0 : i32
    %c0_i32_0 = arith.constant 0 : i32
    return %arg0, %c0_i32 : i32, i32
  }
}

module attributes {stable_mosaic.version = 14 : i64} {
  func.func @_mm1_body(%arg0: i32, %arg1: memref<2x1000x128xf32, #tpu.memory_space<vmem>>, %arg2: memref<1000x128xf32, #tpu.memory_space<vmem>>, %arg3: memref<128x128xf32, #tpu.memory_space<vmem>>, %arg4: memref<1000x128xf32, #tpu.memory_space<vmem>>) attributes {dimension_semantics = [#tpu.dimension_semantics<arbitrary>], iteration_bounds = array<i64: 10>, scalar_prefetch = 0 : i64, scratch_operands = 0 : i64, tpu.core_type = #tpu.core_type<tc>, window_params = [{transform_indices = @transform_0, window_bounds = array<i64: 2, 1000, 128>}, {transform_indices = @transform_1, window_bounds = array<i64: 1000, 128>}, {pipeline_mode = #tpu.pipeline_mode<synchronous>, transform_indices = @transform_2, window_bounds = array<i64: 128, 128>}, {transform_indices = @transform_3, window_bounds = array<i64: 1000, 128>}]} {
    %get3A = arith.constant 0 : index
    %get3A_0 = arith.constant 0 : index
    %get3A_1 = arith.constant 0 : index
    %get3A_2 = vector.load %arg1[%get3A, %get3A_0, %get3A_1] : memref<2x1000x128xf32, #tpu.memory_space<vmem>>, vector<1x1000x128xf32>
    %get3A_3 = vector.shape_cast %get3A_2 : vector<1x1000x128xf32> to vector<1000x128xf32>
    %slice3A = vector.extract_strided_slice %get3A_3 {offsets = [0, 0], sizes = [1000, 1], strides = [1, 1]} : vector<1000x128xf32> to vector<1000x1xf32>
    %get3A_4 = arith.constant 1 : index
    %get3A_5 = arith.constant 0 : index
    %get3A_6 = arith.constant 0 : index
    %get3A_7 = vector.load %arg1[%get3A_4, %get3A_5, %get3A_6] : memref<2x1000x128xf32, #tpu.memory_space<vmem>>, vector<1x1000x128xf32>
    %get3A_8 = vector.shape_cast %get3A_7 : vector<1x1000x128xf32> to vector<1000x128xf32>
    %slice3A_9 = vector.extract_strided_slice %get3A_8 {offsets = [0, 0], sizes = [1000, 1], strides = [1, 1]} : vector<1000x128xf32> to vector<1000x1xf32>
    %add3A = arith.addf %slice3A, %slice3A_9 : vector<1000x1xf32>
    %add3A_10 = arith.constant 1.000000e+00 : f32
    %add3A_11 = vector.broadcast %add3A_10 : f32 to vector<1000x1xf32>
    %add3A_12 = arith.addf %add3A, %add3A_11 : vector<1000x1xf32>
    %rsqrt3A = math.rsqrt %add3A_12 : vector<1000x1xf32>
    %get3A_13 = arith.constant 0 : index
    %get3A_14 = arith.constant 0 : index
    %get3A_15 = vector.load %arg2[%get3A_13, %get3A_14] : memref<1000x128xf32, #tpu.memory_space<vmem>>, vector<1000x128xf32>
    %get3A_16 = arith.constant 0 : index
    %get3A_17 = arith.constant 0 : index
    %get3A_18 = vector.load %arg3[%get3A_16, %get3A_17] : memref<128x128xf32, #tpu.memory_space<vmem>>, vector<128x128xf32>
    %dot_general3A = arith.constant dense<0.000000e+00> : vector<1000x128xf32>
    %dot_general3A_19 = tpu.matmul %get3A_15, %get3A_18, %dot_general3A {dimension_numbers = #tpu.dot_dimension_numbers<[1], [0], [0], [1], [0, 0, 1, 1], [], []>, transpose_lhs_hint = false} : vector<1000x128xf32>, vector<128x128xf32>, vector<1000x128xf32> -> vector<1000x128xf32>
    %mul3A = vector.broadcast %rsqrt3A : vector<1000x1xf32> to vector<1000x128xf32>
    %mul3A_20 = arith.mulf %mul3A, %dot_general3A_19 : vector<1000x128xf32>
    %swap3A = arith.constant 0 : index
    %swap3A_21 = arith.constant 0 : index
    %swap3A_22 = vector.load %arg4[%swap3A, %swap3A_21] : memref<1000x128xf32, #tpu.memory_space<vmem>>, vector<1000x128xf32>
    tpu.vector_store %arg4[%swap3A, %swap3A_21], %mul3A_20 {strides = array<i32>} : memref<1000x128xf32, #tpu.memory_space<vmem>>, vector<1000x128xf32>,
    return
  }
  func.func @transform_0(%arg0: i32) -> (i32, i32, i32) {
    %c0_i32 = arith.constant 0 : i32
    %c0_i32_0 = arith.constant 0 : i32
    %c0_i32_1 = arith.constant 0 : i32
    return %c0_i32, %arg0, %c0_i32_0 : i32, i32, i32
  }
  func.func @transform_1(%arg0: i32) -> (i32, i32) {
    %c0_i32 = arith.constant 0 : i32
    %c0_i32_0 = arith.constant 0 : i32
    return %arg0, %c0_i32 : i32, i32
  }
  func.func @transform_2(%arg0: i32) -> (i32, i32) {
    %c0_i32 = arith.constant 0 : i32
    %c0_i32_0 = arith.constant 0 : i32
    %c0_i32_1 = arith.constant 0 : i32
    return %c0_i32, %c0_i32_0 : i32, i32
  }
  func.func @transform_3(%arg0: i32) -> (i32, i32) {
    %c0_i32 = arith.constant 0 : i32
    %c0_i32_0 = arith.constant 0 : i32
    return %arg0, %c0_i32 : i32, i32
  }
}

module attributes {stable_mosaic.version = 14 : i64} {
  func.func @_mm3_body(%arg0: i32, %arg1: memref<2x1000x128xf32, #tpu.memory_space<vmem>>, %arg2: memref<2x1000x128xf32, #tpu.memory_space<vmem>>, %arg3: memref<1000x128xf32, #tpu.memory_space<vmem>>, %arg4: memref<1x128xf32, #tpu.memory_space<vmem>>, %arg5: memref<1000x128xf32, #tpu.memory_space<vmem>>) attributes {dimension_semantics = [#tpu.dimension_semantics<arbitrary>], iteration_bounds = array<i64: 10>, scalar_prefetch = 0 : i64, scratch_operands = 0 : i64, tpu.core_type = #tpu.core_type<tc>, window_params = [{transform_indices = @transform_0, window_bounds = array<i64: 2, 1000, 128>}, {transform_indices = @transform_1, window_bounds = array<i64: 2, 1000, 128>}, {transform_indices = @transform_2, window_bounds = array<i64: 1000, 128>}, {pipeline_mode = #tpu.pipeline_mode<synchronous>, transform_indices = @transform_3, window_bounds = array<i64: 1, 128>}, {transform_indices = @transform_4, window_bounds = array<i64: 1000, 128>}]} {
    %get3A = arith.constant 0 : index
    %get3A_0 = arith.constant 0 : index
    %get3A_1 = arith.constant 0 : index
    %get3A_2 = vector.load %arg1[%get3A, %get3A_0, %get3A_1] : memref<2x1000x128xf32, #tpu.memory_space<vmem>>, vector<1x1000x128xf32>
    %get3A_3 = vector.shape_cast %get3A_2 : vector<1x1000x128xf32> to vector<1000x128xf32>
    %slice3A = vector.extract_strided_slice %get3A_3 {offsets = [0, 0], sizes = [1000, 1], strides = [1, 1]} : vector<1000x128xf32> to vector<1000x1xf32>
    %get3A_4 = arith.constant 1 : index
    %get3A_5 = arith.constant 0 : index
    %get3A_6 = arith.constant 0 : index
    %get3A_7 = vector.load %arg1[%get3A_4, %get3A_5, %get3A_6] : memref<2x1000x128xf32, #tpu.memory_space<vmem>>, vector<1x1000x128xf32>
    %get3A_8 = vector.shape_cast %get3A_7 : vector<1x1000x128xf32> to vector<1000x128xf32>
    %slice3A_9 = vector.extract_strided_slice %get3A_8 {offsets = [0, 0], sizes = [1000, 1], strides = [1, 1]} : vector<1000x128xf32> to vector<1000x1xf32>
    %add3A = arith.addf %slice3A, %slice3A_9 : vector<1000x1xf32>
    %add3A_10 = arith.constant 1.000000e+00 : f32
    %add3A_11 = vector.broadcast %add3A_10 : f32 to vector<1000x1xf32>
    %add3A_12 = arith.addf %add3A, %add3A_11 : vector<1000x1xf32>
    %rsqrt3A = math.rsqrt %add3A_12 : vector<1000x1xf32>
    %get3A_13 = arith.constant 0 : index
    %get3A_14 = arith.constant 0 : index
    %get3A_15 = arith.constant 0 : index
    %get3A_16 = vector.load %arg2[%get3A_13, %get3A_14, %get3A_15] : memref<2x1000x128xf32, #tpu.memory_space<vmem>>, vector<1x1000x128xf32>
    %get3A_17 = vector.shape_cast %get3A_16 : vector<1x1000x128xf32> to vector<1000x128xf32>
    %get3A_18 = arith.constant 1 : index
    %get3A_19 = arith.constant 0 : index
    %get3A_20 = arith.constant 0 : index
    %get3A_21 = vector.load %arg2[%get3A_18, %get3A_19, %get3A_20] : memref<2x1000x128xf32, #tpu.memory_space<vmem>>, vector<1x1000x128xf32>
    %get3A_22 = vector.shape_cast %get3A_21 : vector<1x1000x128xf32> to vector<1000x128xf32>
    %add3A_23 = arith.addf %get3A_17, %get3A_22 : vector<1000x128xf32>
    %get3A_24 = arith.constant 0 : index
    %get3A_25 = arith.constant 0 : index
    %get3A_26 = vector.load %arg3[%get3A_24, %get3A_25] : memref<1000x128xf32, #tpu.memory_space<vmem>>, vector<1000x128xf32>
    %add3A_27 = arith.addf %add3A_23, %get3A_26 : vector<1000x128xf32>
    %mul3A = vector.broadcast %rsqrt3A : vector<1000x1xf32> to vector<1000x128xf32>
    %mul3A_28 = arith.mulf %mul3A, %add3A_27 : vector<1000x128xf32>
    %get3A_29 = arith.constant 0 : index
    %get3A_30 = arith.constant 0 : index
    %get3A_31 = vector.load %arg4[%get3A_29, %get3A_30] : memref<1x128xf32, #tpu.memory_space<vmem>>, vector<1x128xf32>
    %add3A_32 = vector.broadcast %get3A_31 : vector<1x128xf32> to vector<1000x128xf32>
    %add3A_33 = arith.addf %mul3A_28, %add3A_32 : vector<1000x128xf32>
    %swap3A = arith.constant 0 : index
    %swap3A_34 = arith.constant 0 : index
    %swap3A_35 = vector.load %arg5[%swap3A, %swap3A_34] : memref<1000x128xf32, #tpu.memory_space<vmem>>, vector<1000x128xf32>
    tpu.vector_store %arg5[%swap3A, %swap3A_34], %add3A_33 {strides = array<i32>} : memref<1000x128xf32, #tpu.memory_space<vmem>>, vector<1000x128xf32>,
    return
  }
  func.func @transform_0(%arg0: i32) -> (i32, i32, i32) {
    %c0_i32 = arith.constant 0 : i32
    %c0_i32_0 = arith.constant 0 : i32
    %c0_i32_1 = arith.constant 0 : i32
    return %c0_i32, %arg0, %c0_i32_0 : i32, i32, i32
  }
  func.func @transform_1(%arg0: i32) -> (i32, i32, i32) {
    %c0_i32 = arith.constant 0 : i32
    %c0_i32_0 = arith.constant 0 : i32
    %c0_i32_1 = arith.constant 0 : i32
    return %c0_i32, %arg0, %c0_i32_0 : i32, i32, i32
  }
  func.func @transform_2(%arg0: i32) -> (i32, i32) {
    %c0_i32 = arith.constant 0 : i32
    %c0_i32_0 = arith.constant 0 : i32
    return %arg0, %c0_i32 : i32, i32
  }
  func.func @transform_3(%arg0: i32) -> (i32, i32) {
    %c0_i32 = arith.constant 0 : i32
    %c0_i32_0 = arith.constant 0 : i32
    %c0_i32_1 = arith.constant 0 : i32
    return %c0_i32, %c0_i32_0 : i32, i32
  }
  func.func @transform_4(%arg0: i32) -> (i32, i32) {
    %c0_i32 = arith.constant 0 : i32
    %c0_i32_0 = arith.constant 0 : i32
    return %arg0, %c0_i32 : i32, i32
  }
}

module attributes {stable_mosaic.version = 14 : i64} {
  func.func @_mm4_body(%arg0: i32, %arg1: memref<100x1280xf32, #tpu.memory_space<vmem>>, %arg2: memref<1280x128xf32, #tpu.memory_space<vmem>>, %arg3: memref<1x128xf32, #tpu.memory_space<vmem>>, %arg4: memref<100x128xf32, #tpu.memory_space<vmem>>) attributes {dimension_semantics = [#tpu.dimension_semantics<arbitrary>], iteration_bounds = array<i64: 10>, scalar_prefetch = 0 : i64, scratch_operands = 0 : i64, tpu.core_type = #tpu.core_type<tc>, window_params = [{transform_indices = @transform_0, window_bounds = array<i64: 100, 1280>}, {transform_indices = @transform_1, window_bounds = array<i64: 1280, 128>}, {pipeline_mode = #tpu.pipeline_mode<synchronous>, transform_indices = @transform_2, window_bounds = array<i64: 1, 128>}, {pipeline_mode = #tpu.pipeline_mode<synchronous>, transform_indices = @transform_3, window_bounds = array<i64: 100, 128>}]} {
    %eq3A = arith.constant 0 : i32
    %eq3A_0 = arith.cmpi eq, %arg0, %eq3A : i32
    %convert_element_type3A = arith.extui %eq3A_0 : i1 to i32
    %cond3A = arith.constant 0 : i32
    %cond3A_1 = arith.cmpi ne, %convert_element_type3A, %cond3A : i32
    scf.if %cond3A_1 {
      %broadcast_in_dim3A = arith.constant 0.000000e+00 : f32
      %broadcast_in_dim3A_13 = vector.broadcast %broadcast_in_dim3A : f32 to vector<100x128xf32>
      %get3A_14 = arith.constant 0 : index
      %get3A_15 = arith.constant 0 : index
      %get3A_16 = vector.load %arg3[%get3A_14, %get3A_15] : memref<1x128xf32, #tpu.memory_space<vmem>>, vector<1x128xf32>
      %add3A_17 = vector.broadcast %get3A_16 : vector<1x128xf32> to vector<100x128xf32>
      %add3A_18 = arith.addf %broadcast_in_dim3A_13, %add3A_17 : vector<100x128xf32>
      %swap3A_19 = arith.constant 0 : index
      %swap3A_20 = arith.constant 0 : index
      %swap3A_21 = vector.load %arg4[%swap3A_19, %swap3A_20] : memref<100x128xf32, #tpu.memory_space<vmem>>, vector<100x128xf32>
      tpu.vector_store %arg4[%swap3A_19, %swap3A_20], %add3A_18 {strides = array<i32>} : memref<100x128xf32, #tpu.memory_space<vmem>>, vector<100x128xf32>,
    } else {
    }
    %get3A = arith.constant 0 : index
    %get3A_2 = arith.constant 0 : index
    %get3A_3 = vector.load %arg4[%get3A, %get3A_2] : memref<100x128xf32, #tpu.memory_space<vmem>>, vector<100x128xf32>
    %get3A_4 = arith.constant 0 : index
    %get3A_5 = arith.constant 0 : index
    %get3A_6 = vector.load %arg1[%get3A_4, %get3A_5] : memref<100x1280xf32, #tpu.memory_space<vmem>>, vector<100x1280xf32>
    %get3A_7 = arith.constant 0 : index
    %get3A_8 = arith.constant 0 : index
    %get3A_9 = vector.load %arg2[%get3A_7, %get3A_8] : memref<1280x128xf32, #tpu.memory_space<vmem>>, vector<1280x128xf32>
    %dot_general3A = arith.constant dense<0.000000e+00> : vector<100x128xf32>
    %dot_general3A_10 = tpu.matmul %get3A_6, %get3A_9, %dot_general3A {dimension_numbers = #tpu.dot_dimension_numbers<[1], [0], [0], [1], [0, 0, 1, 1], [], []>, transpose_lhs_hint = false} : vector<100x1280xf32>, vector<1280x128xf32>, vector<100x128xf32> -> vector<100x128xf32>
    %add3A = arith.addf %get3A_3, %dot_general3A_10 : vector<100x128xf32>
    %swap3A = arith.constant 0 : index
    %swap3A_11 = arith.constant 0 : index
    %swap3A_12 = vector.load %arg4[%swap3A, %swap3A_11] : memref<100x128xf32, #tpu.memory_space<vmem>>, vector<100x128xf32>
    tpu.vector_store %arg4[%swap3A, %swap3A_11], %add3A {strides = array<i32>} : memref<100x128xf32, #tpu.memory_space<vmem>>, vector<100x128xf32>,
    return
  }
  func.func @transform_0(%arg0: i32) -> (i32, i32) {
    %c0_i32 = arith.constant 0 : i32
    %c0_i32_0 = arith.constant 0 : i32
    return %c0_i32, %arg0 : i32, i32
  }
  func.func @transform_1(%arg0: i32) -> (i32, i32) {
    %c0_i32 = arith.constant 0 : i32
    %c0_i32_0 = arith.constant 0 : i32
    return %arg0, %c0_i32 : i32, i32
  }
  func.func @transform_2(%arg0: i32) -> (i32, i32) {
    %c0_i32 = arith.constant 0 : i32
    %c0_i32_0 = arith.constant 0 : i32
    %c0_i32_1 = arith.constant 0 : i32
    return %c0_i32, %c0_i32_0 : i32, i32
  }
  func.func @transform_3(%arg0: i32) -> (i32, i32) {
    %c0_i32 = arith.constant 0 : i32
    %c0_i32_0 = arith.constant 0 : i32
    %c0_i32_1 = arith.constant 0 : i32
    return %c0_i32, %c0_i32_0 : i32, i32
  }
}

</mosaic_0001>

<sc_bundles>
// kernel: kernel.12.cloned.1.call-start
scs
__scs_entry_jumppad:
0x0: {  	(pc) =	sbr.rel $0x88, $3  }
0x1: {  	(tag) =	ssettag $0x0;
	lr =	simm.s32 $0x1  }
0x2: {  	[smem:$0x3F99] =	sst lr;
	_ =	strace $0xD0000000  }
0x3: {  	_ = 	snop  }
0x4: {  	_ = 	snop  }
0x5: {  	_ = 	snop  }
0x6: {  	_ = 	snop  }
0x7: {  	_ = 	snop  }
__scs_overlays_trampoline_lowered:
0x8: {  	[smem:$0x3FA8] =	sst s0  }
0x9: {  	[smem:$0x3FA9] =	sst s1  }
0xa: {  	[smem:$0x3FAA] =	sst s2  }
0xb: {  	[smem:$0x3FAB] =	sst s3  }
0xc: {  	[smem:$0x3FAC] =	sst s4  }
0xd: {  	[smem:$0x3FAD] =	sst s5  }
0xe: {  	[smem:$0x3FAE] =	sst s6  }
0xf: {  	[smem:$0x3FAF] =	sst s7  }
0x10: {  	[smem:$0x3FB0] =	sst s8  }
0x11: {  	[smem:$0x3FB1] =	sst s9;
	s0 =	simm.s32 @!p0 $0x0  }
0x12: {  	s1 =	sld [smem:$0x3F97];
	s0 =	simm.s32 @p0 $0x1  }
0x13: {  	[smem:$0x3FB2] =	sst s0;
	s0 =	simm.s32 @!p1 $0x0  }
0x14: {  	s2 =	sld [smem:$0x3F96];
	s0 =	simm.s32 @p1 $0x1  }
0x15: {  	[smem:$0x3FB3] =	sst s0;
	s0 =	simm.s32 @!p2 $0x0  }
0x16: {  	s3 =	sld [smem:$0x3FDB];
	s0 =	simm.s32 @p2 $0x1  }
0x17: {  	s4 =	simm.s32 $0x1BF5;
	[smem:$0x3FB5] =	sst s0  }
0x18: {  	s0 =	sld [smem:$0x3F98];
	_ =	swait.ge [sflag:s4], $0x0  }
0x19: {  	s7 =	sld [smem:$0x3F99]  }
0x1a: {  	s8 =	sadd.s32 $0xFFFFE003, lr  }
0x1b: {  	s9 =	sadd.s32 $0xFFFFFEF7, lr;
	s5 =	simm.s32 $0xFFFFFFFF;
	p2 =	slt.u32 s8, $0xFFFFF086  }
0x1c: {  	p1 =	slt.u32 s9, $0xF7A;
	s5 =	simm.s32 @!p2 $0x0  }
0x1d: {  	s5 =	simm.s32 @p1 $0x1;
	p0 =	seq.s32 s7, s2  }
0x1e: {  	s7 =	smul.u32 @!p0 $0xF7A, s2;
	p2 =	seq.s32 @!p0 s5, $0x0  }
0x1f: {  	s9 =	smul.u32 $0xF7A, s1;
	s8 =	simm.s32 @!p0 $0x1BF5;
	p2 =	por !p2, p0  }
0x20: {  	[sflag:s8] =	ssyncset.s32 @!p0 $0xFFFFF086;
	s6 =	sadd.s32 @!p0 s3, s7;
	s7 =	simm.s32 @!p0 $0x108  }
0x21: {  	s3 =	sadd.s32 s3, s9;
	s6 =	sadd.s32 @!p0 $0x88, s6;
	s7 =	simm.s32 @p2 $0x1082  }
0x22: {  	[simem:s7], [sflag:s8] =	dma.local @!p0 [hbm:s6], $0xF7A  }
0x23: {  	s9 =	sor.u32 $0xD0000000, s2;
	s6 =	simm.s32 $0x108;
	_ =	swait.ge @!p0 [sflag:s8], $0x0  }
0x24: {  	s3 =	sadd.s32 $0x88, s3;
	s6 =	simm.s32 @!p1 $0x1082;
	[sflag:s4] =	ssyncset.s32 $0xFFFFF086  }
0x25: {  	[simem:s6], [sflag:s4] =	dma.local [hbm:s3], $0xF7A  }
0x26: {  	[smem:$0x3F99] =	sst s1;
	(tag) =	ssettag s2;
	_ =	strace s9  }
0x27: {  	s1 =	sld [smem:$0x3FA9]  }
0x28: {  	s2 =	sld [smem:$0x3FAA]  }
0x29: {  	s4 =	sld [smem:$0x3FAC]  }
0x2a: {  	p0 =	seq.s32 s5, $0x0;
	s5 =	sld [smem:$0x3FAD]  }
0x2b: {  	s6 =	sld [smem:$0x3FAE]  }
0x2c: {  	s7 =	sld [smem:$0x3FAF]  }
0x2d: {  	s3 =	simm.s32 $0x108;
	s8 =	sld [smem:$0x3FB0]  }
0x2e: {  	s3 =	simm.s32 @!p0 $0x1082;
	s9 =	sld [smem:$0x3FB1]  }
0x2f: {  	lr =	sadd.s32 s0, s3;
	s0 =	sld [smem:$0x3FA8]  }
0x30: {  	s3 =	sld [smem:$0x3FAB]  }
0x31: {  	[smem:$0x3FB4] =	sst s10  }
0x32: {  	s10 =	sld [smem:$0x3FB2];
	_ =	sdelay $0x3  }
0x33: {  	p0 =	seq.s32 s10, $0x1;
	s10 =	sld [smem:$0x3FB4];
	_ =	sdelay $0x3  }
0x34: {  	[smem:$0x3FB4] =	sst s10  }
0x35: {  	s10 =	sld [smem:$0x3FB3];
	_ =	sdelay $0x3  }
0x36: {  	p1 =	seq.s32 s10, $0x1;
	s10 =	sld [smem:$0x3FB4];
	_ =	sdelay $0x3  }
0x37: {  	[smem:$0x3FB4] =	sst s10  }
0x38: {  	s10 =	sld [smem:$0x3FB5]  }
0x39: {  	_ = 	snop;
	(pc) =	sbr.ind lr, $3  }
0x3a: {  	_ = 	snop  }
0x3b: {  	_ = 	snop  }
0x3c: {  	p2 =	seq.s32 s10, $0x1;
	s10 =	sld [smem:$0x3FB4]  }
0x3d: {  	_ =	shalt  }
0x3e: {  	_ =	shalt  }
0x3f: {  	_ =	shalt  }
0x40: {  	_ =	shalt  }
0x41: {  	_ =	shalt  }
0x42: {  	_ =	shalt  }
0x43: {  	_ =	shalt  }
0x44: {  	_ =	shalt  }
0x45: {  	_ =	shalt  }
0x46: {  	_ =	shalt  }
0x47: {  	_ =	shalt  }
0x48: {  	_ =	shalt  }
0x49: {  	_ =	shalt  }
0x4a: {  	_ =	shalt  }
0x4b: {  	_ =	shalt  }
0x4c: {  	_ =	shalt  }
0x4d: {  	_ =	shalt  }
0x4e: {  	_ =	shalt  }
0x4f: {  	_ =	shalt  }
0x50: {  	_ =	shalt  }
0x51: {  	_ =	shalt  }
0x52: {  	_ =	shalt  }
0x53: {  	_ =	shalt  }
0x54: {  	_ =	shalt  }
0x55: {  	_ =	shalt  }
0x56: {  	_ =	shalt  }
0x57: {  	_ =	shalt  }
0x58: {  	_ =	shalt  }
0x59: {  	_ =	shalt  }
0x5a: {  	_ =	shalt  }
0x5b: {  	_ =	shalt  }
0x5c: {  	_ =	shalt  }
0x5d: {  	_ =	shalt  }
0x5e: {  	_ =	shalt  }
0x5f: {  	_ =	shalt  }
0x60: {  	_ =	shalt  }
0x61: {  	_ =	shalt  }
0x62: {  	_ =	shalt  }
0x63: {  	_ =	shalt  }
0x64: {  	_ =	shalt  }
0x65: {  	_ =	shalt  }
0x66: {  	_ =	shalt  }
0x67: {  	_ =	shalt  }
0x68: {  	_ =	shalt  }
0x69: {  	_ =	shalt  }
0x6a: {  	_ =	shalt  }
0x6b: {  	_ =	shalt  }
0x6c: {  	_ =	shalt  }
0x6d: {  	_ =	shalt  }
0x6e: {  	_ =	shalt  }
0x6f: {  	_ =	shalt  }
0x70: {  	_ =	shalt  }
0x71: {  	_ =	shalt  }
0x72: {  	_ =	shalt  }
0x73: {  	_ =	shalt  }
0x74: {  	_ =	shalt  }
0x75: {  	_ =	shalt  }
0x76: {  	_ =	shalt  }
0x77: {  	_ =	shalt  }
0x78: {  	_ =	shalt  }
0x79: {  	_ =	shalt  }
0x7a: {  	_ =	shalt  }
0x7b: {  	_ =	shalt  }
0x7c: {  	_ =	shalt  }
0x7d: {  	_ =	shalt  }
0x7e: {  	_ =	shalt  }
0x7f: {  	_ =	shalt  }
0x80: {  	_ =	shalt  }
0x81: {  	_ =	shalt  }
0x82: {  	_ =	shalt  }
0x83: {  	_ =	shalt  }
0x84: {  	_ =	shalt  }
0x85: {  	_ =	shalt  }
0x86: {  	_ =	shalt  }
0x87: {  	_ =	shalt  }
.Lfunc_end0:
.L_simem_size_0:
called_computation.1_lowered:
.L_overlay_start_0:
0x88: {  	s2 =	sld [smem:$0x3FD9]  }
0x89: {  	s3 =	sld [smem:$0x3FFE];
	_ =	sdelay $0x1  }
0x8a: {  	s1 =	srdreg.scid  }
0x8b: {  	s0 =	sand.u32 $0x1, s1  }
0x8c: {  	s14 =	sshll.u32 s0, $0xA;
	s2 =	sadd.s32 s3, s2  }
0x8d: {  	s2 =	sadd.s32 s2, s14  }
0x8e: {  	[smem:$0x3FC0] =	sst s2  }
0x8f: {  	_ = 	snop  }
0x90: {  	s2 =	sld [smem:$0x3FD0];
	_ =	sdelay $0x2  }
0x91: {  	s15 =	simm.s32 $0xA;
	s4 =	simm.s32 $0x10  }
0x92: {  	[smem:s4], [sflag:s15] =	dma.local [hbm:s2], $0x1  }
0x93: {  	_ =	swait.eq [sflag:s15], $0x1  }
0x94: {  	[sflag:s15] =	ssyncset.done $0x0  }
0x95: {  	[sflag:s15] =	ssyncadd.s32 $0xFFFFFFFF  }
0x96: {  	s16 =	sld [smem:$0x11];
	(tm) =	ssettm $0x1  }
0x97: {  	s17 =	sld [smem:$0x3FFB];
	_ =	sdelay $0x3  }
0x98: {  	_ =	strace s17  }
0x99: {  	s3 =	sld [smem:$0x3FFC];
	_ =	sdelay $0x3  }
0x9a: {  	_ =	strace s3  }
0x9b: {  	s3 =	sld [smem:$0x3FFD];
	_ =	sdelay $0x3  }
0x9c: {  	_ =	strace s3  }
0x9d: {  	_ =	strace $0x8FFFFFFF  }
0x9e: {  	s18 =	sld [smem:$0x3FDB];
	_ =	sdelay $0x1  }
0x9f: {  	s19 =	simm.s32 $_scs_section_size  }
0xa0: {  	s5 =	simm.s32 $_size__tile_overlayer_lowered;
	s6 =	simm.s32 $_tile_overlayer_lowered  }
0xa1: {  	s22 =	simm.s32 $0x1BFF;
	s21 =	sshll.u32 s6, $0x1;
	s3 =	sadd.s32 s19, s18  }
0xa2: {  	s7 =	simm.s32 $0x0;
	s20 =	sshll.u32 s5, $0x1;
	s5 =	sadd.s32 s21, s3  }
0xa3: {  	[timem:s7], [sflag:s22] =	dma.local [hbm:s5], s20  }
0xa4: {  	_ =	swait.ge [sflag:s22], s20  }
0xa5: {  	s4 =	ssub.s32 $0x0, s20;
	[sflag:s22] =	ssyncset.done $0x0  }
0xa6: {  	[sflag:s22] =	ssyncadd.s32 s4;
	_ =	sdelay $0x1  }
0xa7: {  	s23 =	simm.s32 $0x1B8B  }
0xa8: {  	_ =	swait.ge [sflag:s23], $0x1  }
0xa9: {  	[sflag:s23] =	ssyncset.done $0x0  }
0xaa: {  	s25 =	simm.s32 $0x1B8E;
	s24 =	sld [smem:$0x3FFE];
	[sflag:s23] =	ssyncadd.s32 $0xFFFFFFFF  }
0xab: {  	s26 =	simm.s32 $execute0_lowered;
	[smem:$0x3FD2] =	sst s25  }
0xac: {  	s5 =	sshll.u32 s26, $0x1;
	_ =	strace $0x80000049;
	[dreg:$0x1] =	wrdreg $0xFFFFFFFF  }
0xad: {  	s28 =	simm.s32 $_size_execute0_lowered;
	s3 =	sadd.s32 s3, s5;
	[dreg:$0x0] =	wrdreg $0x0  }
0xae: {  	s5 =	sshll.u32 s28, $0x1;
	[dreg:$0x2] =	wrdreg s3  }
0xaf: {  	[dreg:$0x3] =	wrdreg s5  }
0xb0: {  	[dreg:$0x4] =	wrdreg $0xC0  }
0xb1: {  	_ =	task [dreg:s7], $0x5FFFF  }
0xb2: {  	[dreg:$0x1] =	wrdreg $0xFFFFFFFF  }
0xb3: {  	[dreg:$0x0] =	wrdreg $0x60  }
0xb4: {  	[dreg:$0x2] =	wrdreg s16  }
0xb5: {  	[dreg:$0x3] =	wrdreg s24  }
0xb6: {  	[dreg:$0x4] =	wrdreg $0x72000  }
0xb7: {  	[dreg:$0x5] =	wrdreg $0x9  }
0xb8: {  	_ =	task.clear_ibuf [dreg:s7], $0x6FFFF;
	_ =	strace $0x90000049  }
0xb9: {  	s29 =	simm.s32 $0x9;
	_ =	strace $0x8000004B  }
0xba: {  	_ =	swait.ge [sflag:s29], $0x1  }
0xbb: {  	[sflag:s29] =	ssyncadd.s32 $0xFFFFFFFF  }
0xbc: {  	_ =	strace $0x9000004B  }
0xbd: {  	_ =	sfence  }
0xbe: {  	s30 =	sld [smem:$0x0];
	_ =	sdelay $0x2  }
0xbf: {  	s31 =	sshll.u32 s1, $0xD;
	s1 =	sshrl.u32 s1, $0x2  }
0xc0: {  	s3 =	sand.u32 $0x4000, s31;
	s1 =	sadd.s32 s1, s30  }
0xc1: {  	s0 =	sor.u32 s3, s0;
	s1 =	sshll.u32 s1, $0x11  }
0xc2: {  	s0 =	sor.u32 s1, s0  }
0xc3: {  	s0 =	sadd.s32 $0x8F2B, s0  }
0xc4: {  	[sflag:s0] =	ssyncadd.remote.s32 $0x1  }
0xc5: {  	_ =	sfence.sel $0xFFFF  }
0xc6: {  	[dreg:$0x0] =	wrdreg $0xFFFFFFFF;
	(pc) =	sbr.abs _section_cstart, $3  }
0xc7: {  	[dreg:$0x1] =	wrdreg $0xFFFFFFFF  }
0xc8: {  	_ =	task.clear_ibuf [dreg:s7], $0x2FFFF;
	_ =	strace $0x9FFFFFFF  }
0xc9: {  	(tm) =	ssettm $0x7FFFFFFF  }
tec
execute0_lowered:
.L_overlay_start_1:
0x0: {  	(tag) =	ssettag $0x1  }
0x1: {  	s2 =	rddreg [dreg:$0x0]  }
0x2: {  	s0 =	rddreg [dreg:$0x1];
	s16 =	stileid.u32  }
0x3: {  	s3 =	rddreg [dreg:$0x2];
	s7 =	smul.u32 $0x13C00, s16  }
0x4: {  	s1 =	srdreg.scid;
	s10 =	smul.u32 $0x4F000, s16  }
0x5: {  	s4 =	simm.s32 $0x0;
	s28 =	simm.s32 $0x180;
	s19 =	smul.u32 $0x1DC0, s16  }
0x6: {  	s29 =	simm.s32 $0x3A00;
	s30 =	simm.s32 $0x1;
	s13 =	smul.u32 $0x3100, s16  }
0x7: {  	s31 =	simm.s32 $0x2;
	s1 =	sand.u32 $0x1, s1;
	s24 =	smul.u32 $0x620, s16  }
0x8: {  	[smem:$0x7FF] =	sst s4;
	s5 =	sadd.s32 $0x83800, s0;
	s26 =	smul.u32 $0x3B8, s16  }
0x9: {  	s6 =	sadd.s32 $0x2A00, s0;
	s12 =	sshll.u32 s16, $0x6;
	s8 =	smul.u32 $0x13C000, s1  }
0xa: {  	_ =	strace $0x8000004A;
	s15 =	ssub.s32 $0x2, s1;
	p0 =	seq.s32 s1, $0x1  }
0xb: {  	s9 =	sshrl.u32 s7, $0x3;
	s17 =	sshrl.u32 s15, $0x1;
	s18 =	sshrl.u32 s10, $0x2  }
0xc: {  	s20 =	sshrl.u32 s19, $0x3;
	s21 =	sshrl.u32 s13, $0x3;
	s25 =	sadd.s32 $0x3090, s13  }
0xd: {  	s10 =	sadd.s32 $0x32D50, s19;
	s19 =	sadd.s32 s24, s5;
	s7 =	sadd.s32 s7, s8  }
0xe: {  	s9 =	sadd.s32 s9, s0;
	s11 =	ssub.s32 s15, s17;
	[dreg:$0x8] =	wrdreg s25  }
0xf: {  	s14 =	sadd.s32 s5, s21;
	s1 =	sadd.s32 s6, s21;
	[dreg:$0x9] =	wrdreg s10  }
0x10: {  	s21 =	sadd.s32 s26, s5;
	s25 =	simm.s32 $0x200;
	s7 =	sshrl.u32 s7, $0x3  }
0x11: {  	s8 =	sadd.s32 $0xD000, s9;
	s9 =	sor.u32 $0x1C03, s12;
	[dreg:$0x4] =	wrdreg s14  }
0x12: {  	s12 =	sadd.s32 $0x6200, s20;
	[dreg:$0x5] =	wrdreg s1;
	s15 =	smax.u32 s11, $0x1  }
.Ltmp0:
0x13: {  	s20 =	sadd.s32 s26, s6;
	s26 =	simm.s32 $0x100;
	(pc) =	sbr.rel .LBB2_1-.Ltmp0, $4  }
0x14: {  	s0 =	sadd.s32 s7, s0;
	s7 =	sadd.s32 s18, s3;
	s22 =	sadd.s32 s5, s12  }
0x15: {  	s23 =	sadd.s32 s6, s12;
	s18 =	sadd.s32 s24, s6;
	[dreg:$0x6] =	wrdreg s22  }
0x16: {  	s24 =	simm.s32 $0x70;
	[dreg:$0x7] =	wrdreg s23;
	s14 =	sadd.s32 $0x34800, s0  }
0x17: {  	s22 =	simm.s32 $0x3;
	s23 =	simm.s32 $0x80;
	s0 =	simm.s32 $0x0  }
.LBB2_7:
0x18: {  	s11 =	sadd.s32 $0x65AA, s12;
	[sflag:s22] =	ssyncadd.s32 $0xFFFFC800  }
0x19: {  	[tilespmem:s26], [sflag:$0x3] =	stream.linear.gather [hbm4b:s11+s4], $0x70, $0x38;
	[tilespmem:$0x1AE00] =	vst v63  }
0x1a: {  	_ =	swait.ge [sflag:s22], $0x70  }
0x1b: {  	s10 =	sadd.s32 s10, s20;
	[sflag:s22] =	ssyncset.done $0x0  }
0x1c: {  	s16 =	sadd.s32 $0x65AA, s10;
	[sflag:s22] =	ssyncadd.s32 $0xFFFFFF90  }
0x1d: {  	[tilespmem:s28], [sflag:$0x3] =	stream.linear.gather [hbm4b:s16+s4], $0x70, $0x38;
	[tilespmem:$0x1AE00] =	vst v63  }
0x1e: {  	_ =	swait.ge [sflag:s22], $0x70  }
0x1f: {  	[sflag:s22] =	ssyncset.done $0x0  }
0x20: {  	[sflag:s22] =	ssyncadd.s32 $0xFFFFFF90  }
0x21: {  	[tilespmem:s29], [sflag:$0x2] =	stream.indirect.gather [hbm4b:s2+s24], $0x80, s26, s24, $0xb8;
	[tilespmem:$0x1AE00] =	vst v63  }
0x22: {  	_ =	swait.ge [sflag:s30], $0x3800  }
0x23: {  	[sflag:s30] =	ssyncset.done $0x0  }
0x24: {  	[sflag:s30] =	ssyncadd.s32 $0xFFFFC800  }
0x25: {  	[spmem:s3] =	stream.indirect.scatter.add.f32 [tilespmem:s25], [sflag:$0x3], $0x80, s23, s24, $0xb8;
	[tilespmem:$0x1AE00] =	vst v63  }
0x26: {  	_ =	swait.ge [sflag:s22], $0x3800  }
0x27: {  	[sflag:s22] =	ssyncset.done $0x0  }
0x28: {  	s17 =	sadd.s32 $0x65B8, s12;
	[sflag:s22] =	ssyncadd.s32 $0xFFFFC800  }
0x29: {  	[tilespmem:s4], [sflag:$0x3] =	stream.linear.gather [hbm4b:s17+s4], $0x70, $0x38;
	[tilespmem:$0x1AE00] =	vst v63  }
0x2a: {  	_ =	swait.ge [sflag:s22], $0x70  }
0x2b: {  	[sflag:s22] =	ssyncset.done $0x0  }
0x2c: {  	s10 =	sadd.s32 $0x65B8, s10;
	[sflag:s22] =	ssyncadd.s32 $0xFFFFFF90  }
0x2d: {  	[tilespmem:s23], [sflag:$0x3] =	stream.linear.gather [hbm4b:s10+s4], $0x70, $0x38;
	[tilespmem:$0x1AE00] =	vst v63  }
0x2e: {  	_ =	swait.ge [sflag:s22], $0x70  }
0x2f: {  	[sflag:s22] =	ssyncset.done $0x0  }
0x30: {  	[sflag:s22] =	ssyncadd.s32 $0xFFFFFF90  }
0x31: {  	[tilespmem:s25], [sflag:$0x1] =	stream.indirect.gather [hbm4b:s2+s24], $0x80, s4, s24, $0xb8;
	[tilespmem:$0x1AE00] =	vst v63  }
0x32: {  	_ =	swait.ge [sflag:s31], $0x3800  }
0x33: {  	[sflag:s31] =	ssyncset.done $0x0  }
0x34: {  	[sflag:s31] =	ssyncadd.s32 $0xFFFFC800  }
0x35: {  	[spmem:s3] =	stream.indirect.scatter.add.f32 [tilespmem:s29], [sflag:$0x3], $0x80, s28, s24, $0xb8;
	[tilespmem:$0x1AE00] =	vst v63  }
0x36: {  	_ =	swait.ge [sflag:s22], $0x3800  }
0x37: {  	[sflag:s22] =	ssyncset.done $0x0  }
0x38: {  	s10 =	rddreg [dreg:$0x9];
	[sflag:s22] =	ssyncadd.s32 $0xFFFFC800  }
.LBB2_8:
0x39: {  	s10 =	sshrl.u32 s10, $0x3  }
0x3a: {  	s11 =	sadd.s32 s5, s10  }
0x3b: {  	[tilespmem:s26], [sflag:$0x3] =	stream.linear.gather [hbm4b:s11+s4], $0x70, $0x38;
	[tilespmem:$0x1AE00] =	vst v63  }
0x3c: {  	_ =	swait.ge [sflag:s22], $0x70  }
0x3d: {  	[sflag:s22] =	ssyncset.done $0x0  }
0x3e: {  	s10 =	sadd.s32 s6, s10;
	[sflag:s22] =	ssyncadd.s32 $0xFFFFFF90  }
0x3f: {  	[tilespmem:s28], [sflag:$0x3] =	stream.linear.gather [hbm4b:s10+s4], $0x70, $0x38;
	[tilespmem:$0x1AE00] =	vst v63  }
0x40: {  	_ =	swait.ge [sflag:s22], $0x70  }
0x41: {  	[sflag:s22] =	ssyncset.done $0x0  }
0x42: {  	[sflag:s22] =	ssyncadd.s32 $0xFFFFFF90  }
0x43: {  	[tilespmem:s29], [sflag:$0x2] =	stream.indirect.gather [hbm4b:s2+s24], $0x80, s26, s24, $0xb8;
	[tilespmem:$0x1AE00] =	vst v63  }
0x44: {  	_ =	swait.ge [sflag:s30], $0x3800  }
0x45: {  	[sflag:s30] =	ssyncset.done $0x0  }
0x46: {  	[sflag:s30] =	ssyncadd.s32 $0xFFFFC800  }
0x47: {  	[spmem:s3] =	stream.indirect.scatter.add.f32 [tilespmem:s25], [sflag:$0x3], $0x80, s23, s24, $0xb8;
	[tilespmem:$0x1AE00] =	vst v63  }
0x48: {  	_ =	swait.ge [sflag:s22], $0x3800  }
0x49: {  	[sflag:s22] =	ssyncset.done $0x0  }
0x4a: {  	[sflag:s22] =	ssyncadd.s32 $0xFFFFC800  }
0x4b: {  	_ =	swait.ge [sflag:s31], $0x3800  }
0x4c: {  	[sflag:s31] =	ssyncset.done $0x0  }
0x4d: {  	[sflag:s31] =	ssyncadd.s32 $0xFFFFC800  }
0x4e: {  	[spmem:s3] =	stream.indirect.scatter.add.f32 [tilespmem:s29], [sflag:$0x3], $0x80, s28, s24, $0xb8;
	[tilespmem:$0x1AE00] =	vst v63  }
0x4f: {  	_ =	swait.ge [sflag:s22], $0x3800  }
0x50: {  	s0 =	sadd.s32 $0x1, s0;
	[sflag:s22] =	ssyncset.done $0x0  }
0x51: {  	p1 =	sne.s32 s0, s15;
	[sflag:s22] =	ssyncadd.s32 $0xFFFFC800  }
.Ltmp1:
0x52: {  	[bflag:$0x0] =	sbarrier.arrive $0xFFFF;
	(pc) =	sbr.rel @!p1 .LBB2_9-.Ltmp1, $4  }
0x53: {  	[hbm:s14], [sflag:s9] =	dma.local [spmem:s1], $0x2780  }
0x54: {  	_ =	swait.ge [sflag:s22], $0x2780  }
0x55: {  	[sflag:s22] =	ssyncset.done $0x0  }
0x56: {  	[sflag:s22] =	ssyncadd.s32 $0xFFFFD880  }
.LBB2_1:
0x57: {  	s1 =	sshrl.u32 s7, $0x3  }
0x58: {  	[spmem:s1], [sflag:s9] =	dma.local [hbm:s8], $0x2780  }
.Ltmp2:
0x59: {  	_ =	swait.ge [sflag:s22], $0x2780;
	(pc) =	sbr.rel @!p0 .LBB2_2-.Ltmp2, $3  }
0x5a: {  	[sflag:s22] =	ssyncset.done $0x0  }
0x5b: {  	[sflag:s22] =	ssyncadd.s32 $0xFFFFD880  }
0x5c: {  	[bflag:$0x0] =	sbarrier.arrive $0xFFFF;
	_ =	sdelay $0x1  }
0x5d: {  	s10 =	rddreg [dreg:$0x6]  }
0x5e: {  	[tilespmem:s4], [sflag:$0x3] =	stream.linear.gather [hbm4b:s10+s4], $0x70, $0x38;
	[tilespmem:$0x1AE00] =	vst v63  }
0x5f: {  	_ =	swait.ge [sflag:s22], $0x70  }
0x60: {  	[sflag:s22] =	ssyncset.done $0x0  }
0x61: {  	s12 =	rddreg [dreg:$0x7];
	[sflag:s22] =	ssyncadd.s32 $0xFFFFFF90  }
0x62: {  	[tilespmem:s23], [sflag:$0x3] =	stream.linear.gather [hbm4b:s12+s4], $0x70, $0x38;
	[tilespmem:$0x1AE00] =	vst v63  }
0x63: {  	_ =	swait.ge [sflag:s22], $0x70  }
0x64: {  	[sflag:s22] =	ssyncset.done $0x0  }
0x65: {  	s13 =	sadd.s32 $0xFFFFFC64, s21;
	[sflag:s22] =	ssyncadd.s32 $0xFFFFFF90  }
0x66: {  	[tilespmem:s25], [sflag:$0x1] =	stream.indirect.gather [hbm4b:s2+s24], $0x80, s4, s24, $0xb8;
	[tilespmem:$0x1AE00] =	vst v63  }
0x67: {  	s11 =	sadd.s32 $0x65AA, s13  }
0x68: {  	[tilespmem:s26], [sflag:$0x3] =	stream.linear.gather [hbm4b:s11+s4], $0x70, $0x38;
	[tilespmem:$0x1AE00] =	vst v63  }
0x69: {  	_ =	swait.ge [sflag:s22], $0x70  }
0x6a: {  	s16 =	sadd.s32 $0xFFFFFC64, s20;
	[sflag:s22] =	ssyncset.done $0x0  }
0x6b: {  	s12 =	sadd.s32 $0x65AA, s16;
	[sflag:s22] =	ssyncadd.s32 $0xFFFFFF90  }
0x6c: {  	[tilespmem:s28], [sflag:$0x3] =	stream.linear.gather [hbm4b:s12+s4], $0x70, $0x38;
	[tilespmem:$0x1AE00] =	vst v63  }
0x6d: {  	_ =	swait.ge [sflag:s22], $0x70  }
0x6e: {  	[sflag:s22] =	ssyncset.done $0x0  }
0x6f: {  	[sflag:s22] =	ssyncadd.s32 $0xFFFFFF90  }
0x70: {  	[tilespmem:s29], [sflag:$0x2] =	stream.indirect.gather [hbm4b:s2+s24], $0x80, s26, s24, $0xb8;
	[tilespmem:$0x1AE00] =	vst v63  }
0x71: {  	_ =	swait.ge [sflag:s30], $0x3800  }
0x72: {  	[sflag:s30] =	ssyncset.done $0x0  }
0x73: {  	[sflag:s30] =	ssyncadd.s32 $0xFFFFC800  }
0x74: {  	[spmem:s3] =	stream.indirect.scatter.add.f32 [tilespmem:s25], [sflag:$0x3], $0x80, s23, s24, $0xb8;
	[tilespmem:$0x1AE00] =	vst v63  }
0x75: {  	_ =	swait.ge [sflag:s22], $0x3800  }
0x76: {  	[sflag:s22] =	ssyncset.done $0x0  }
0x77: {  	s10 =	sadd.s32 $0x65B8, s13;
	[sflag:s22] =	ssyncadd.s32 $0xFFFFC800  }
0x78: {  	[tilespmem:s4], [sflag:$0x3] =	stream.linear.gather [hbm4b:s10+s4], $0x70, $0x38;
	[tilespmem:$0x1AE00] =	vst v63  }
0x79: {  	_ =	swait.ge [sflag:s22], $0x70  }
0x7a: {  	[sflag:s22] =	ssyncset.done $0x0  }
0x7b: {  	s17 =	sadd.s32 $0x65B8, s16;
	[sflag:s22] =	ssyncadd.s32 $0xFFFFFF90  }
0x7c: {  	[tilespmem:s23], [sflag:$0x3] =	stream.linear.gather [hbm4b:s17+s4], $0x70, $0x38;
	[tilespmem:$0x1AE00] =	vst v63  }
0x7d: {  	_ =	swait.ge [sflag:s22], $0x70  }
0x7e: {  	[sflag:s22] =	ssyncset.done $0x0  }
0x7f: {  	[sflag:s22] =	ssyncadd.s32 $0xFFFFFF90  }
0x80: {  	[tilespmem:s25], [sflag:$0x1] =	stream.indirect.gather [hbm4b:s2+s24], $0x80, s4, s24, $0xb8;
	[tilespmem:$0x1AE00] =	vst v63  }
0x81: {  	_ =	swait.ge [sflag:s31], $0x3800  }
0x82: {  	[sflag:s31] =	ssyncset.done $0x0  }
0x83: {  	[sflag:s31] =	ssyncadd.s32 $0xFFFFC800  }
0x84: {  	[spmem:s3] =	stream.indirect.scatter.add.f32 [tilespmem:s29], [sflag:$0x3], $0x80, s28, s24, $0xb8;
	[tilespmem:$0x1AE00] =	vst v63  }
0x85: {  	s13 =	simm.s32 $0xFFFFFC9C;
	_ =	swait.ge [sflag:s22], $0x3800  }
0x86: {  	s12 =	sadd.s32 $0xFFFFFC80, s21;
	s10 =	simm.s32 $0xFFFFFC80;
	[sflag:s22] =	ssyncset.done $0x0  }
.LBB2_6:
0x87: {  	s16 =	sadd.s32 $0x65AA, s12  }
0x88: {  	[sflag:s22] =	ssyncadd.s32 $0xFFFFC800;
	s17 =	smov.u32 s13;
	s11 =	sadd.s32 $0x1C, s13  }
0x89: {  	[tilespmem:s26], [sflag:$0x3] =	stream.linear.gather [hbm4b:s16+s4], $0x70, $0x38;
	[tilespmem:$0x1AE00] =	vst v63  }
0x8a: {  	p1 =	sne.s32 s13, $0xFFFFFFE4;
	_ =	swait.ge [sflag:s22], $0x70  }
0x8b: {  	s13 =	sadd.s32 s10, s20;
	s10 =	smov.u32 s17;
	[sflag:s22] =	ssyncset.done $0x0  }
0x8c: {  	s16 =	sadd.s32 $0x65AA, s13;
	[sflag:s22] =	ssyncadd.s32 $0xFFFFFF90  }
0x8d: {  	[tilespmem:s28], [sflag:$0x3] =	stream.linear.gather [hbm4b:s16+s4], $0x70, $0x38;
	[tilespmem:$0x1AE00] =	vst v63  }
0x8e: {  	_ =	swait.ge [sflag:s22], $0x70  }
0x8f: {  	[sflag:s22] =	ssyncset.done $0x0  }
0x90: {  	[sflag:s22] =	ssyncadd.s32 $0xFFFFFF90  }
0x91: {  	[tilespmem:s29], [sflag:$0x2] =	stream.indirect.gather [hbm4b:s2+s24], $0x80, s26, s24, $0xb8;
	[tilespmem:$0x1AE00] =	vst v63  }
0x92: {  	_ =	swait.ge [sflag:s30], $0x3800  }
0x93: {  	[sflag:s30] =	ssyncset.done $0x0  }
0x94: {  	[sflag:s30] =	ssyncadd.s32 $0xFFFFC800  }
0x95: {  	[spmem:s3] =	stream.indirect.scatter.add.f32 [tilespmem:s25], [sflag:$0x3], $0x80, s23, s24, $0xb8;
	[tilespmem:$0x1AE00] =	vst v63  }
0x96: {  	_ =	swait.ge [sflag:s22], $0x3800  }
0x97: {  	[sflag:s22] =	ssyncset.done $0x0  }
0x98: {  	s12 =	sadd.s32 $0x65B8, s12;
	[sflag:s22] =	ssyncadd.s32 $0xFFFFC800  }
0x99: {  	[tilespmem:s4], [sflag:$0x3] =	stream.linear.gather [hbm4b:s12+s4], $0x70, $0x38;
	[tilespmem:$0x1AE00] =	vst v63  }
0x9a: {  	_ =	swait.ge [sflag:s22], $0x70  }
0x9b: {  	[sflag:s22] =	ssyncset.done $0x0  }
0x9c: {  	s12 =	sadd.s32 $0x65B8, s13;
	[sflag:s22] =	ssyncadd.s32 $0xFFFFFF90  }
0x9d: {  	[tilespmem:s23], [sflag:$0x3] =	stream.linear.gather [hbm4b:s12+s4], $0x70, $0x38;
	[tilespmem:$0x1AE00] =	vst v63  }
0x9e: {  	_ =	swait.ge [sflag:s22], $0x70  }
0x9f: {  	[sflag:s22] =	ssyncset.done $0x0  }
0xa0: {  	[sflag:s22] =	ssyncadd.s32 $0xFFFFFF90  }
0xa1: {  	[tilespmem:s25], [sflag:$0x1] =	stream.indirect.gather [hbm4b:s2+s24], $0x80, s4, s24, $0xb8;
	[tilespmem:$0x1AE00] =	vst v63  }
0xa2: {  	_ =	swait.ge [sflag:s31], $0x3800  }
.Ltmp3:
0xa3: {  	[sflag:s31] =	ssyncset.done $0x0;
	(pc) =	sbr.rel @p1 .LBB2_6-.Ltmp3, $4  }
0xa4: {  	[sflag:s31] =	ssyncadd.s32 $0xFFFFC800  }
0xa5: {  	[spmem:s3] =	stream.indirect.scatter.add.f32 [tilespmem:s29], [sflag:$0x3], $0x80, s28, s24, $0xb8;
	[tilespmem:$0x1AE00] =	vst v63  }
0xa6: {  	_ =	swait.ge [sflag:s22], $0x3800  }
0xa7: {  	s13 =	smov.u32 s11;
	s12 =	sadd.s32 s10, s21;
	[sflag:s22] =	ssyncset.done $0x0  }
.Ltmp4:
0xa8: {  	_ = 	snop;
	(pc) =	sbr.rel .LBB2_7-.Ltmp4, $1  }
0xa9: {  	_ =	sdelay $0x3  }
.LBB2_2:
0xaa: {  	s10 =	rddreg [dreg:$0x4]  }
0xab: {  	[tilespmem:s4], [sflag:$0x3] =	stream.linear.gather [hbm4b:s10+s4], $0x70, $0x38;
	[tilespmem:$0x1AE00] =	vst v63  }
0xac: {  	_ =	swait.ge [sflag:s22], $0x70  }
0xad: {  	[sflag:s22] =	ssyncset.done $0x0  }
0xae: {  	s12 =	rddreg [dreg:$0x5];
	[sflag:s22] =	ssyncadd.s32 $0xFFFFFF90  }
0xaf: {  	[tilespmem:s23], [sflag:$0x3] =	stream.linear.gather [hbm4b:s12+s4], $0x70, $0x38;
	[tilespmem:$0x1AE00] =	vst v63  }
0xb0: {  	_ =	swait.ge [sflag:s22], $0x70  }
0xb1: {  	[sflag:s22] =	ssyncset.done $0x0  }
0xb2: {  	s13 =	sadd.s32 $0xFFFFF9FC, s19;
	[sflag:s22] =	ssyncadd.s32 $0xFFFFFF90  }
0xb3: {  	[tilespmem:s25], [sflag:$0x1] =	stream.indirect.gather [hbm4b:s2+s24], $0x80, s4, s24, $0xb8;
	[tilespmem:$0x1AE00] =	vst v63  }
0xb4: {  	s11 =	sadd.s32 $0x612, s13  }
0xb5: {  	[tilespmem:s26], [sflag:$0x3] =	stream.linear.gather [hbm4b:s11+s4], $0x70, $0x38;
	[tilespmem:$0x1AE00] =	vst v63  }
0xb6: {  	_ =	swait.ge [sflag:s22], $0x70  }
0xb7: {  	s16 =	sadd.s32 $0xFFFFF9FC, s18;
	[sflag:s22] =	ssyncset.done $0x0  }
0xb8: {  	s12 =	sadd.s32 $0x612, s16;
	[sflag:s22] =	ssyncadd.s32 $0xFFFFFF90  }
0xb9: {  	[tilespmem:s28], [sflag:$0x3] =	stream.linear.gather [hbm4b:s12+s4], $0x70, $0x38;
	[tilespmem:$0x1AE00] =	vst v63  }
0xba: {  	_ =	swait.ge [sflag:s22], $0x70  }
0xbb: {  	[sflag:s22] =	ssyncset.done $0x0  }
0xbc: {  	[sflag:s22] =	ssyncadd.s32 $0xFFFFFF90  }
0xbd: {  	[tilespmem:s29], [sflag:$0x2] =	stream.indirect.gather [hbm4b:s2+s24], $0x80, s26, s24, $0xb8;
	[tilespmem:$0x1AE00] =	vst v63  }
0xbe: {  	_ =	swait.ge [sflag:s30], $0x3800  }
0xbf: {  	[sflag:s30] =	ssyncset.done $0x0  }
0xc0: {  	[sflag:s30] =	ssyncadd.s32 $0xFFFFC800  }
0xc1: {  	[spmem:s3] =	stream.indirect.scatter.add.f32 [tilespmem:s25], [sflag:$0x3], $0x80, s23, s24, $0xb8;
	[tilespmem:$0x1AE00] =	vst v63  }
0xc2: {  	_ =	swait.ge [sflag:s22], $0x3800  }
0xc3: {  	[sflag:s22] =	ssyncset.done $0x0  }
0xc4: {  	s10 =	sadd.s32 $0x620, s13;
	[sflag:s22] =	ssyncadd.s32 $0xFFFFC800  }
0xc5: {  	[tilespmem:s4], [sflag:$0x3] =	stream.linear.gather [hbm4b:s10+s4], $0x70, $0x38;
	[tilespmem:$0x1AE00] =	vst v63  }
0xc6: {  	_ =	swait.ge [sflag:s22], $0x70  }
0xc7: {  	[sflag:s22] =	ssyncset.done $0x0  }
0xc8: {  	s17 =	sadd.s32 $0x620, s16;
	[sflag:s22] =	ssyncadd.s32 $0xFFFFFF90  }
0xc9: {  	[tilespmem:s23], [sflag:$0x3] =	stream.linear.gather [hbm4b:s17+s4], $0x70, $0x38;
	[tilespmem:$0x1AE00] =	vst v63  }
0xca: {  	_ =	swait.ge [sflag:s22], $0x70  }
0xcb: {  	[sflag:s22] =	ssyncset.done $0x0  }
0xcc: {  	[sflag:s22] =	ssyncadd.s32 $0xFFFFFF90  }
0xcd: {  	[tilespmem:s25], [sflag:$0x1] =	stream.indirect.gather [hbm4b:s2+s24], $0x80, s4, s24, $0xb8;
	[tilespmem:$0x1AE00] =	vst v63  }
0xce: {  	_ =	swait.ge [sflag:s31], $0x3800  }
0xcf: {  	[sflag:s31] =	ssyncset.done $0x0  }
0xd0: {  	[sflag:s31] =	ssyncadd.s32 $0xFFFFC800  }
0xd1: {  	[spmem:s3] =	stream.indirect.scatter.add.f32 [tilespmem:s29], [sflag:$0x3], $0x80, s28, s24, $0xb8;
	[tilespmem:$0x1AE00] =	vst v63  }
0xd2: {  	s11 =	simm.s32 $0xFFFFFA34;
	_ =	swait.ge [sflag:s22], $0x3800  }
0xd3: {  	s12 =	sadd.s32 $0xFFFFFA18, s19;
	s10 =	simm.s32 $0xFFFFFA18;
	[sflag:s22] =	ssyncset.done $0x0  }
.LBB2_3:
0xd4: {  	s16 =	sadd.s32 $0x612, s12  }
0xd5: {  	[sflag:s22] =	ssyncadd.s32 $0xFFFFC800;
	s17 =	smov.u32 s11;
	s13 =	sadd.s32 $0x1C, s11  }
0xd6: {  	[tilespmem:s26], [sflag:$0x3] =	stream.linear.gather [hbm4b:s16+s4], $0x70, $0x38;
	[tilespmem:$0x1AE00] =	vst v63  }
0xd7: {  	p1 =	seq.s32 s11, $0xFFFFFFE4;
	_ =	swait.ge [sflag:s22], $0x70  }
0xd8: {  	s11 =	sadd.s32 s10, s18;
	s10 =	smov.u32 s17;
	[sflag:s22] =	ssyncset.done $0x0  }
0xd9: {  	s16 =	sadd.s32 $0x612, s11;
	[sflag:s22] =	ssyncadd.s32 $0xFFFFFF90  }
0xda: {  	[tilespmem:s28], [sflag:$0x3] =	stream.linear.gather [hbm4b:s16+s4], $0x70, $0x38;
	[tilespmem:$0x1AE00] =	vst v63  }
0xdb: {  	_ =	swait.ge [sflag:s22], $0x70  }
0xdc: {  	[sflag:s22] =	ssyncset.done $0x0  }
0xdd: {  	[sflag:s22] =	ssyncadd.s32 $0xFFFFFF90  }
0xde: {  	[tilespmem:s29], [sflag:$0x2] =	stream.indirect.gather [hbm4b:s2+s24], $0x80, s26, s24, $0xb8;
	[tilespmem:$0x1AE00] =	vst v63  }
0xdf: {  	_ =	swait.ge [sflag:s30], $0x3800  }
0xe0: {  	[sflag:s30] =	ssyncset.done $0x0  }
0xe1: {  	[sflag:s30] =	ssyncadd.s32 $0xFFFFC800  }
0xe2: {  	[spmem:s3] =	stream.indirect.scatter.add.f32 [tilespmem:s25], [sflag:$0x3], $0x80, s23, s24, $0xb8;
	[tilespmem:$0x1AE00] =	vst v63  }
0xe3: {  	_ =	swait.ge [sflag:s22], $0x3800  }
0xe4: {  	[sflag:s22] =	ssyncset.done $0x0  }
0xe5: {  	s12 =	sadd.s32 $0x620, s12;
	[sflag:s22] =	ssyncadd.s32 $0xFFFFC800  }
0xe6: {  	[tilespmem:s4], [sflag:$0x3] =	stream.linear.gather [hbm4b:s12+s4], $0x70, $0x38;
	[tilespmem:$0x1AE00] =	vst v63  }
0xe7: {  	_ =	swait.ge [sflag:s22], $0x70  }
0xe8: {  	[sflag:s22] =	ssyncset.done $0x0  }
0xe9: {  	s11 =	sadd.s32 $0x620, s11;
	[sflag:s22] =	ssyncadd.s32 $0xFFFFFF90  }
0xea: {  	[tilespmem:s23], [sflag:$0x3] =	stream.linear.gather [hbm4b:s11+s4], $0x70, $0x38;
	[tilespmem:$0x1AE00] =	vst v63  }
0xeb: {  	_ =	swait.ge [sflag:s22], $0x70  }
0xec: {  	[sflag:s22] =	ssyncset.done $0x0  }
0xed: {  	[sflag:s22] =	ssyncadd.s32 $0xFFFFFF90  }
0xee: {  	[tilespmem:s25], [sflag:$0x1] =	stream.indirect.gather [hbm4b:s2+s24], $0x80, s4, s24, $0xb8;
	[tilespmem:$0x1AE00] =	vst v63  }
0xef: {  	_ =	swait.ge [sflag:s31], $0x3800  }
.Ltmp5:
0xf0: {  	[sflag:s31] =	ssyncset.done $0x0;
	(pc) =	sbr.rel @!p1 .LBB2_3-.Ltmp5, $4  }
0xf1: {  	[sflag:s31] =	ssyncadd.s32 $0xFFFFC800  }
0xf2: {  	[spmem:s3] =	stream.indirect.scatter.add.f32 [tilespmem:s29], [sflag:$0x3], $0x80, s28, s24, $0xb8;
	[tilespmem:$0x1AE00] =	vst v63  }
0xf3: {  	_ =	swait.ge [sflag:s22], $0x3800  }
0xf4: {  	s12 =	sadd.s32 s10, s19;
	s11 =	smov.u32 s13;
	[sflag:s22] =	ssyncset.done $0x0  }
0xf5: {  	s11 =	sadd.s32 $0x612, s12;
	[sflag:s22] =	ssyncadd.s32 $0xFFFFC800  }
0xf6: {  	[tilespmem:s26], [sflag:$0x3] =	stream.linear.gather [hbm4b:s11+s4], $0x70, $0x38;
	[tilespmem:$0x1AE00] =	vst v63  }
0xf7: {  	_ =	swait.ge [sflag:s22], $0x70  }
0xf8: {  	s10 =	sadd.s32 s10, s18;
	[sflag:s22] =	ssyncset.done $0x0  }
0xf9: {  	s16 =	sadd.s32 $0x612, s10;
	[sflag:s22] =	ssyncadd.s32 $0xFFFFFF90  }
0xfa: {  	[tilespmem:s28], [sflag:$0x3] =	stream.linear.gather [hbm4b:s16+s4], $0x70, $0x38;
	[tilespmem:$0x1AE00] =	vst v63  }
0xfb: {  	_ =	swait.ge [sflag:s22], $0x70  }
0xfc: {  	[sflag:s22] =	ssyncset.done $0x0  }
0xfd: {  	[sflag:s22] =	ssyncadd.s32 $0xFFFFFF90  }
0xfe: {  	[tilespmem:s29], [sflag:$0x2] =	stream.indirect.gather [hbm4b:s2+s24], $0x80, s26, s24, $0xb8;
	[tilespmem:$0x1AE00] =	vst v63  }
0xff: {  	_ =	swait.ge [sflag:s30], $0x3800  }
0x100: {  	[sflag:s30] =	ssyncset.done $0x0  }
0x101: {  	[sflag:s30] =	ssyncadd.s32 $0xFFFFC800  }
0x102: {  	[spmem:s3] =	stream.indirect.scatter.add.f32 [tilespmem:s25], [sflag:$0x3], $0x80, s23, s24, $0xb8;
	[tilespmem:$0x1AE00] =	vst v63  }
0x103: {  	_ =	swait.ge [sflag:s22], $0x3800  }
0x104: {  	[sflag:s22] =	ssyncset.done $0x0  }
0x105: {  	s17 =	sadd.s32 $0x620, s12;
	[sflag:s22] =	ssyncadd.s32 $0xFFFFC800  }
0x106: {  	[tilespmem:s4], [sflag:$0x3] =	stream.linear.gather [hbm4b:s17+s4], $0x70, $0x38;
	[tilespmem:$0x1AE00] =	vst v63  }
0x107: {  	_ =	swait.ge [sflag:s22], $0x70  }
0x108: {  	[sflag:s22] =	ssyncset.done $0x0  }
0x109: {  	s10 =	sadd.s32 $0x620, s10;
	[sflag:s22] =	ssyncadd.s32 $0xFFFFFF90  }
0x10a: {  	[tilespmem:s23], [sflag:$0x3] =	stream.linear.gather [hbm4b:s10+s4], $0x70, $0x38;
	[tilespmem:$0x1AE00] =	vst v63  }
0x10b: {  	_ =	swait.ge [sflag:s22], $0x70  }
0x10c: {  	[sflag:s22] =	ssyncset.done $0x0  }
0x10d: {  	[sflag:s22] =	ssyncadd.s32 $0xFFFFFF90  }
0x10e: {  	[tilespmem:s25], [sflag:$0x1] =	stream.indirect.gather [hbm4b:s2+s24], $0x80, s4, s24, $0xb8;
	[tilespmem:$0x1AE00] =	vst v63  }
0x10f: {  	_ =	swait.ge [sflag:s31], $0x3800  }
0x110: {  	[sflag:s31] =	ssyncset.done $0x0  }
.Ltmp6:
0x111: {  	[sflag:s31] =	ssyncadd.s32 $0xFFFFC800;
	(pc) =	sbr.rel .LBB2_8-.Ltmp6, $4  }
0x112: {  	[spmem:s3] =	stream.indirect.scatter.add.f32 [tilespmem:s29], [sflag:$0x3], $0x80, s28, s24, $0xb8;
	[tilespmem:$0x1AE00] =	vst v63  }
0x113: {  	_ =	swait.ge [sflag:s22], $0x3800  }
0x114: {  	[sflag:s22] =	ssyncset.done $0x0  }
0x115: {  	s10 =	rddreg [dreg:$0x8];
	[sflag:s22] =	ssyncadd.s32 $0xFFFFC800  }
.LBB2_9:
0x116: {  	_ =	sfence.sel $0x180000  }
0x117: {  	[bflag:$0x0] =	sbarrier.arrive $0xFFFF  }
0x118: {  	_ =	strace $0x9000004A  }
0x119: {  	s0 =	stileid.u32;
	[bflag:$0x2] =	sbarrier.arrive $0xFFFF  }
0x11a: {  	p0 =	sne.s32 s0, $0x0;
	s0 =	rddreg [dreg:$0x3]  }
0x11b: {  	s0 =	sadd.s32 @!p0 $0x100000, s0  }
0x11c: {  	[sflag:s0] =	ssyncadd.tile.s32 @!p0 $0x1;
	_ =	shalt  }
.Lfunc_end2:
_tile_overlayer_lowered:
.L_overlay_start_2:
0x11d: {  	(tag) =	ssettag $0x2  }
0x11e: {  	s0 =	rddreg [dreg:$0x0];
	s2 =	stileid.u32  }
0x11f: {  	s1 =	rddreg [dreg:$0x1];
	p0 =	sne.s32 s2, $0x0  }
0x120: {  	s3 =	rddreg [dreg:$0x2];
	[bflag:$0x3] =	sbarrier.arrive $0xFFFF;
	s2 =	simm.s32 @!p0 $0x1C03  }
0x121: {  	[timem:s3], [sflag:s2] =	dma.local @!p0 [hbm:s0], s1  }
0x122: {  	s0 =	simm.s32 @!p0 $0x3  }
0x123: {  	_ =	swait.ge @!p0 [sflag:s0], s1  }
0x124: {  	s1 =	ssub.s32 @!p0 $0x0, s1;
	[sflag:s0] =	ssyncset.done @!p0 $0x0  }
0x125: {  	[sflag:s0] =	ssyncadd.s32 @!p0 s1  }
0x126: {  	[bflag:$0x3] =	sbarrier.arrive $0xFFFF  }
0x127: {  	_ =	shalt  }

// kernel: kernel.15.cloned.1.call-start
scs
__scs_entry_jumppad:
0x0: {  	(pc) =	sbr.rel $0x88, $3  }
0x1: {  	(tag) =	ssettag $0x0;
	lr =	simm.s32 $0x1  }
0x2: {  	[smem:$0x3F99] =	sst lr;
	_ =	strace $0xD0000000  }
0x3: {  	_ = 	snop  }
0x4: {  	_ = 	snop  }
0x5: {  	_ = 	snop  }
0x6: {  	_ = 	snop  }
0x7: {  	_ = 	snop  }
__scs_overlays_trampoline_lowered:
0x8: {  	[smem:$0x3FA8] =	sst s0  }
0x9: {  	[smem:$0x3FA9] =	sst s1  }
0xa: {  	[smem:$0x3FAA] =	sst s2  }
0xb: {  	[smem:$0x3FAB] =	sst s3  }
0xc: {  	[smem:$0x3FAC] =	sst s4  }
0xd: {  	[smem:$0x3FAD] =	sst s5  }
0xe: {  	[smem:$0x3FAE] =	sst s6  }
0xf: {  	[smem:$0x3FAF] =	sst s7  }
0x10: {  	[smem:$0x3FB0] =	sst s8  }
0x11: {  	[smem:$0x3FB1] =	sst s9;
	s0 =	simm.s32 @!p0 $0x0  }
0x12: {  	s1 =	sld [smem:$0x3F97];
	s0 =	simm.s32 @p0 $0x1  }
0x13: {  	[smem:$0x3FB2] =	sst s0;
	s0 =	simm.s32 @!p1 $0x0  }
0x14: {  	s2 =	sld [smem:$0x3F96];
	s0 =	simm.s32 @p1 $0x1  }
0x15: {  	[smem:$0x3FB3] =	sst s0;
	s0 =	simm.s32 @!p2 $0x0  }
0x16: {  	s3 =	sld [smem:$0x3FDB];
	s0 =	simm.s32 @p2 $0x1  }
0x17: {  	s4 =	simm.s32 $0x1BF5;
	[smem:$0x3FB5] =	sst s0  }
0x18: {  	s0 =	sld [smem:$0x3F98];
	_ =	swait.ge [sflag:s4], $0x0  }
0x19: {  	s7 =	sld [smem:$0x3F99]  }
0x1a: {  	s8 =	sadd.s32 $0xFFFFE003, lr  }
0x1b: {  	s9 =	sadd.s32 $0xFFFFFEF7, lr;
	s5 =	simm.s32 $0xFFFFFFFF;
	p2 =	slt.u32 s8, $0xFFFFF086  }
0x1c: {  	p1 =	slt.u32 s9, $0xF7A;
	s5 =	simm.s32 @!p2 $0x0  }
0x1d: {  	s5 =	simm.s32 @p1 $0x1;
	p0 =	seq.s32 s7, s2  }
0x1e: {  	s7 =	smul.u32 @!p0 $0xF7A, s2;
	p2 =	seq.s32 @!p0 s5, $0x0  }
0x1f: {  	s9 =	smul.u32 $0xF7A, s1;
	s8 =	simm.s32 @!p0 $0x1BF5;
	p2 =	por !p2, p0  }
0x20: {  	[sflag:s8] =	ssyncset.s32 @!p0 $0xFFFFF086;
	s6 =	sadd.s32 @!p0 s3, s7;
	s7 =	simm.s32 @!p0 $0x108  }
0x21: {  	s3 =	sadd.s32 s3, s9;
	s6 =	sadd.s32 @!p0 $0x88, s6;
	s7 =	simm.s32 @p2 $0x1082  }
0x22: {  	[simem:s7], [sflag:s8] =	dma.local @!p0 [hbm:s6], $0xF7A  }
0x23: {  	s9 =	sor.u32 $0xD0000000, s2;
	s6 =	simm.s32 $0x108;
	_ =	swait.ge @!p0 [sflag:s8], $0x0  }
0x24: {  	s3 =	sadd.s32 $0x88, s3;
	s6 =	simm.s32 @!p1 $0x1082;
	[sflag:s4] =	ssyncset.s32 $0xFFFFF086  }
0x25: {  	[simem:s6], [sflag:s4] =	dma.local [hbm:s3], $0xF7A  }
0x26: {  	[smem:$0x3F99] =	sst s1;
	(tag) =	ssettag s2;
	_ =	strace s9  }
0x27: {  	s1 =	sld [smem:$0x3FA9]  }
0x28: {  	s2 =	sld [smem:$0x3FAA]  }
0x29: {  	s4 =	sld [smem:$0x3FAC]  }
0x2a: {  	p0 =	seq.s32 s5, $0x0;
	s5 =	sld [smem:$0x3FAD]  }
0x2b: {  	s6 =	sld [smem:$0x3FAE]  }
0x2c: {  	s7 =	sld [smem:$0x3FAF]  }
0x2d: {  	s3 =	simm.s32 $0x108;
	s8 =	sld [smem:$0x3FB0]  }
0x2e: {  	s3 =	simm.s32 @!p0 $0x1082;
	s9 =	sld [smem:$0x3FB1]  }
0x2f: {  	lr =	sadd.s32 s0, s3;
	s0 =	sld [smem:$0x3FA8]  }
0x30: {  	s3 =	sld [smem:$0x3FAB]  }
0x31: {  	[smem:$0x3FB4] =	sst s10  }
0x32: {  	s10 =	sld [smem:$0x3FB2];
	_ =	sdelay $0x3  }
0x33: {  	p0 =	seq.s32 s10, $0x1;
	s10 =	sld [smem:$0x3FB4];
	_ =	sdelay $0x3  }
0x34: {  	[smem:$0x3FB4] =	sst s10  }
0x35: {  	s10 =	sld [smem:$0x3FB3];
	_ =	sdelay $0x3  }
0x36: {  	p1 =	seq.s32 s10, $0x1;
	s10 =	sld [smem:$0x3FB4];
	_ =	sdelay $0x3  }
0x37: {  	[smem:$0x3FB4] =	sst s10  }
0x38: {  	s10 =	sld [smem:$0x3FB5]  }
0x39: {  	_ = 	snop;
	(pc) =	sbr.ind lr, $3  }
0x3a: {  	_ = 	snop  }
0x3b: {  	_ = 	snop  }
0x3c: {  	p2 =	seq.s32 s10, $0x1;
	s10 =	sld [smem:$0x3FB4]  }
0x3d: {  	_ =	shalt  }
0x3e: {  	_ =	shalt  }
0x3f: {  	_ =	shalt  }
0x40: {  	_ =	shalt  }
0x41: {  	_ =	shalt  }
0x42: {  	_ =	shalt  }
0x43: {  	_ =	shalt  }
0x44: {  	_ =	shalt  }
0x45: {  	_ =	shalt  }
0x46: {  	_ =	shalt  }
0x47: {  	_ =	shalt  }
0x48: {  	_ =	shalt  }
0x49: {  	_ =	shalt  }
0x4a: {  	_ =	shalt  }
0x4b: {  	_ =	shalt  }
0x4c: {  	_ =	shalt  }
0x4d: {  	_ =	shalt  }
0x4e: {  	_ =	shalt  }
0x4f: {  	_ =	shalt  }
0x50: {  	_ =	shalt  }
0x51: {  	_ =	shalt  }
0x52: {  	_ =	shalt  }
0x53: {  	_ =	shalt  }
0x54: {  	_ =	shalt  }
0x55: {  	_ =	shalt  }
0x56: {  	_ =	shalt  }
0x57: {  	_ =	shalt  }
0x58: {  	_ =	shalt  }
0x59: {  	_ =	shalt  }
0x5a: {  	_ =	shalt  }
0x5b: {  	_ =	shalt  }
0x5c: {  	_ =	shalt  }
0x5d: {  	_ =	shalt  }
0x5e: {  	_ =	shalt  }
0x5f: {  	_ =	shalt  }
0x60: {  	_ =	shalt  }
0x61: {  	_ =	shalt  }
0x62: {  	_ =	shalt  }
0x63: {  	_ =	shalt  }
0x64: {  	_ =	shalt  }
0x65: {  	_ =	shalt  }
0x66: {  	_ =	shalt  }
0x67: {  	_ =	shalt  }
0x68: {  	_ =	shalt  }
0x69: {  	_ =	shalt  }
0x6a: {  	_ =	shalt  }
0x6b: {  	_ =	shalt  }
0x6c: {  	_ =	shalt  }
0x6d: {  	_ =	shalt  }
0x6e: {  	_ =	shalt  }
0x6f: {  	_ =	shalt  }
0x70: {  	_ =	shalt  }
0x71: {  	_ =	shalt  }
0x72: {  	_ =	shalt  }
0x73: {  	_ =	shalt  }
0x74: {  	_ =	shalt  }
0x75: {  	_ =	shalt  }
0x76: {  	_ =	shalt  }
0x77: {  	_ =	shalt  }
0x78: {  	_ =	shalt  }
0x79: {  	_ =	shalt  }
0x7a: {  	_ =	shalt  }
0x7b: {  	_ =	shalt  }
0x7c: {  	_ =	shalt  }
0x7d: {  	_ =	shalt  }
0x7e: {  	_ =	shalt  }
0x7f: {  	_ =	shalt  }
0x80: {  	_ =	shalt  }
0x81: {  	_ =	shalt  }
0x82: {  	_ =	shalt  }
0x83: {  	_ =	shalt  }
0x84: {  	_ =	shalt  }
0x85: {  	_ =	shalt  }
0x86: {  	_ =	shalt  }
0x87: {  	_ =	shalt  }
.Lfunc_end0:
.L_simem_size_0:
called_computation.2_lowered:
.L_overlay_start_0:
0x88: {  	s2 =	sld [smem:$0x3FD9]  }
0x89: {  	s3 =	sld [smem:$0x3FFE];
	_ =	sdelay $0x1  }
0x8a: {  	s1 =	srdreg.scid  }
0x8b: {  	s0 =	sand.u32 $0x1, s1  }
0x8c: {  	s14 =	sshll.u32 s0, $0xA;
	s2 =	sadd.s32 s3, s2  }
0x8d: {  	s2 =	sadd.s32 s2, s14  }
0x8e: {  	[smem:$0x3FC0] =	sst s2  }
0x8f: {  	_ = 	snop  }
0x90: {  	s2 =	sld [smem:$0x3FD0];
	_ =	sdelay $0x2  }
0x91: {  	s15 =	simm.s32 $0xA;
	s4 =	simm.s32 $0x10  }
0x92: {  	[smem:s4], [sflag:s15] =	dma.local [hbm:s2], $0x1  }
0x93: {  	_ =	swait.eq [sflag:s15], $0x1  }
0x94: {  	[sflag:s15] =	ssyncset.done $0x0  }
0x95: {  	[sflag:s15] =	ssyncadd.s32 $0xFFFFFFFF  }
0x96: {  	s16 =	sld [smem:$0x11];
	(tm) =	ssettm $0x1  }
0x97: {  	s17 =	sld [smem:$0x3FFB];
	_ =	sdelay $0x3  }
0x98: {  	_ =	strace s17  }
0x99: {  	s3 =	sld [smem:$0x3FFC];
	_ =	sdelay $0x3  }
0x9a: {  	_ =	strace s3  }
0x9b: {  	s3 =	sld [smem:$0x3FFD];
	_ =	sdelay $0x3  }
0x9c: {  	_ =	strace s3  }
0x9d: {  	_ =	strace $0x8FFFFFFF  }
0x9e: {  	s18 =	sld [smem:$0x3FDB];
	_ =	sdelay $0x1  }
0x9f: {  	s19 =	simm.s32 $_scs_section_size  }
0xa0: {  	s5 =	simm.s32 $_size__tile_overlayer_lowered;
	s6 =	simm.s32 $_tile_overlayer_lowered  }
0xa1: {  	s22 =	simm.s32 $0x1BFF;
	s21 =	sshll.u32 s6, $0x1;
	s3 =	sadd.s32 s19, s18  }
0xa2: {  	s7 =	simm.s32 $0x0;
	s20 =	sshll.u32 s5, $0x1;
	s5 =	sadd.s32 s21, s3  }
0xa3: {  	[timem:s7], [sflag:s22] =	dma.local [hbm:s5], s20  }
0xa4: {  	_ =	swait.ge [sflag:s22], s20  }
0xa5: {  	s4 =	ssub.s32 $0x0, s20;
	[sflag:s22] =	ssyncset.done $0x0  }
0xa6: {  	[sflag:s22] =	ssyncadd.s32 s4;
	_ =	sdelay $0x1  }
0xa7: {  	s23 =	simm.s32 $0x1B8B  }
0xa8: {  	_ =	swait.ge [sflag:s23], $0x1  }
0xa9: {  	[sflag:s23] =	ssyncset.done $0x0  }
0xaa: {  	s25 =	simm.s32 $0x1B8E;
	s24 =	sld [smem:$0x3FFE];
	[sflag:s23] =	ssyncadd.s32 $0xFFFFFFFF  }
0xab: {  	s26 =	simm.s32 $execute0_lowered;
	[smem:$0x3FD2] =	sst s25  }
0xac: {  	s5 =	sshll.u32 s26, $0x1;
	_ =	strace $0x8000004C;
	[dreg:$0x1] =	wrdreg $0xFFFFFFFF  }
0xad: {  	s28 =	simm.s32 $_size_execute0_lowered;
	s3 =	sadd.s32 s3, s5;
	[dreg:$0x0] =	wrdreg $0x0  }
0xae: {  	s5 =	sshll.u32 s28, $0x1;
	[dreg:$0x2] =	wrdreg s3  }
0xaf: {  	[dreg:$0x3] =	wrdreg s5  }
0xb0: {  	[dreg:$0x4] =	wrdreg $0xC0  }
0xb1: {  	_ =	task [dreg:s7], $0x5FFFF  }
0xb2: {  	[dreg:$0x1] =	wrdreg $0xFFFFFFFF  }
0xb3: {  	[dreg:$0x0] =	wrdreg $0x60  }
0xb4: {  	[dreg:$0x2] =	wrdreg s16  }
0xb5: {  	[dreg:$0x3] =	wrdreg s24  }
0xb6: {  	[dreg:$0x4] =	wrdreg $0x72000  }
0xb7: {  	[dreg:$0x5] =	wrdreg $0x9  }
0xb8: {  	_ =	task.clear_ibuf [dreg:s7], $0x6FFFF;
	_ =	strace $0x9000004C  }
0xb9: {  	s29 =	simm.s32 $0x9;
	_ =	strace $0x8000004E  }
0xba: {  	_ =	swait.ge [sflag:s29], $0x1  }
0xbb: {  	[sflag:s29] =	ssyncadd.s32 $0xFFFFFFFF  }
0xbc: {  	_ =	strace $0x9000004E  }
0xbd: {  	_ =	sfence  }
0xbe: {  	s30 =	sld [smem:$0x0];
	_ =	sdelay $0x2  }
0xbf: {  	s31 =	sshll.u32 s1, $0xD;
	s1 =	sshrl.u32 s1, $0x2  }
0xc0: {  	s3 =	sand.u32 $0x4000, s31;
	s1 =	sadd.s32 s1, s30  }
0xc1: {  	s0 =	sor.u32 s3, s0;
	s1 =	sshll.u32 s1, $0x11  }
0xc2: {  	s0 =	sor.u32 s1, s0  }
0xc3: {  	s0 =	sadd.s32 $0x8F2B, s0  }
0xc4: {  	[sflag:s0] =	ssyncadd.remote.s32 $0x1  }
0xc5: {  	_ =	sfence.sel $0xFFFF  }
0xc6: {  	[dreg:$0x0] =	wrdreg $0xFFFFFFFF;
	(pc) =	sbr.abs _section_cstart, $3  }
0xc7: {  	[dreg:$0x1] =	wrdreg $0xFFFFFFFF  }
0xc8: {  	_ =	task.clear_ibuf [dreg:s7], $0x2FFFF;
	_ =	strace $0x9FFFFFFF  }
0xc9: {  	(tm) =	ssettm $0x7FFFFFFF  }
tec
execute0_lowered:
.L_overlay_start_1:
0x0: {  	(tag) =	ssettag $0x1  }
0x1: {  	s2 =	rddreg [dreg:$0x0]  }
0x2: {  	s0 =	rddreg [dreg:$0x1];
	s16 =	stileid.u32  }
0x3: {  	s3 =	rddreg [dreg:$0x2];
	s7 =	smul.u32 $0x13C00, s16  }
0x4: {  	s1 =	srdreg.scid;
	s10 =	smul.u32 $0x4F000, s16  }
0x5: {  	s4 =	simm.s32 $0x0;
	s28 =	simm.s32 $0x180;
	s19 =	smul.u32 $0x1DC0, s16  }
0x6: {  	s29 =	simm.s32 $0x3A00;
	s30 =	simm.s32 $0x1;
	s13 =	smul.u32 $0x3100, s16  }
0x7: {  	s31 =	simm.s32 $0x2;
	s1 =	sand.u32 $0x1, s1;
	s24 =	smul.u32 $0x620, s16  }
0x8: {  	[smem:$0x7FF] =	sst s4;
	s5 =	sadd.s32 $0x83800, s0;
	s26 =	smul.u32 $0x3B8, s16  }
0x9: {  	s6 =	sadd.s32 $0x2A00, s0;
	s12 =	sshll.u32 s16, $0x6;
	s8 =	smul.u32 $0x13C000, s1  }
0xa: {  	_ =	strace $0x8000004D;
	s15 =	ssub.s32 $0x2, s1;
	p0 =	seq.s32 s1, $0x1  }
0xb: {  	s9 =	sshrl.u32 s7, $0x3;
	s17 =	sshrl.u32 s15, $0x1;
	s18 =	sshrl.u32 s10, $0x2  }
0xc: {  	s20 =	sshrl.u32 s19, $0x3;
	s21 =	sshrl.u32 s13, $0x3;
	s25 =	sadd.s32 $0x3090, s13  }
0xd: {  	s10 =	sadd.s32 $0x32D50, s19;
	s19 =	sadd.s32 s24, s5;
	s7 =	sadd.s32 s7, s8  }
0xe: {  	s9 =	sadd.s32 s9, s0;
	s11 =	ssub.s32 s15, s17;
	[dreg:$0x8] =	wrdreg s25  }
0xf: {  	s14 =	sadd.s32 s5, s21;
	s1 =	sadd.s32 s6, s21;
	[dreg:$0x9] =	wrdreg s10  }
0x10: {  	s21 =	sadd.s32 s26, s5;
	s25 =	simm.s32 $0x200;
	s7 =	sshrl.u32 s7, $0x3  }
0x11: {  	s8 =	sadd.s32 $0xD000, s9;
	s9 =	sor.u32 $0x1C03, s12;
	[dreg:$0x4] =	wrdreg s14  }
0x12: {  	s12 =	sadd.s32 $0x6200, s20;
	[dreg:$0x5] =	wrdreg s1;
	s15 =	smax.u32 s11, $0x1  }
.Ltmp0:
0x13: {  	s20 =	sadd.s32 s26, s6;
	s26 =	simm.s32 $0x100;
	(pc) =	sbr.rel .LBB2_1-.Ltmp0, $4  }
0x14: {  	s0 =	sadd.s32 s7, s0;
	s7 =	sadd.s32 s18, s3;
	s22 =	sadd.s32 s5, s12  }
0x15: {  	s23 =	sadd.s32 s6, s12;
	s18 =	sadd.s32 s24, s6;
	[dreg:$0x6] =	wrdreg s22  }
0x16: {  	s24 =	simm.s32 $0x70;
	[dreg:$0x7] =	wrdreg s23;
	s14 =	sadd.s32 $0x34800, s0  }
0x17: {  	s22 =	simm.s32 $0x3;
	s23 =	simm.s32 $0x80;
	s0 =	simm.s32 $0x0  }
.LBB2_7:
0x18: {  	s11 =	sadd.s32 $0x65AA, s12;
	[sflag:s22] =	ssyncadd.s32 $0xFFFFC800  }
0x19: {  	[tilespmem:s26], [sflag:$0x3] =	stream.linear.gather [hbm4b:s11+s4], $0x70, $0x38;
	[tilespmem:$0x1AE00] =	vst v63  }
0x1a: {  	_ =	swait.ge [sflag:s22], $0x70  }
0x1b: {  	s10 =	sadd.s32 s10, s20;
	[sflag:s22] =	ssyncset.done $0x0  }
0x1c: {  	s16 =	sadd.s32 $0x65AA, s10;
	[sflag:s22] =	ssyncadd.s32 $0xFFFFFF90  }
0x1d: {  	[tilespmem:s28], [sflag:$0x3] =	stream.linear.gather [hbm4b:s16+s4], $0x70, $0x38;
	[tilespmem:$0x1AE00] =	vst v63  }
0x1e: {  	_ =	swait.ge [sflag:s22], $0x70  }
0x1f: {  	[sflag:s22] =	ssyncset.done $0x0  }
0x20: {  	[sflag:s22] =	ssyncadd.s32 $0xFFFFFF90  }
0x21: {  	[tilespmem:s29], [sflag:$0x2] =	stream.indirect.gather [hbm4b:s2+s24], $0x80, s26, s24, $0xb8;
	[tilespmem:$0x1AE00] =	vst v63  }
0x22: {  	_ =	swait.ge [sflag:s30], $0x3800  }
0x23: {  	[sflag:s30] =	ssyncset.done $0x0  }
0x24: {  	[sflag:s30] =	ssyncadd.s32 $0xFFFFC800  }
0x25: {  	[spmem:s3] =	stream.indirect.scatter.add.f32 [tilespmem:s25], [sflag:$0x3], $0x80, s23, s24, $0xb8;
	[tilespmem:$0x1AE00] =	vst v63  }
0x26: {  	_ =	swait.ge [sflag:s22], $0x3800  }
0x27: {  	[sflag:s22] =	ssyncset.done $0x0  }
0x28: {  	s17 =	sadd.s32 $0x65B8, s12;
	[sflag:s22] =	ssyncadd.s32 $0xFFFFC800  }
0x29: {  	[tilespmem:s4], [sflag:$0x3] =	stream.linear.gather [hbm4b:s17+s4], $0x70, $0x38;
	[tilespmem:$0x1AE00] =	vst v63  }
0x2a: {  	_ =	swait.ge [sflag:s22], $0x70  }
0x2b: {  	[sflag:s22] =	ssyncset.done $0x0  }
0x2c: {  	s10 =	sadd.s32 $0x65B8, s10;
	[sflag:s22] =	ssyncadd.s32 $0xFFFFFF90  }
0x2d: {  	[tilespmem:s23], [sflag:$0x3] =	stream.linear.gather [hbm4b:s10+s4], $0x70, $0x38;
	[tilespmem:$0x1AE00] =	vst v63  }
0x2e: {  	_ =	swait.ge [sflag:s22], $0x70  }
0x2f: {  	[sflag:s22] =	ssyncset.done $0x0  }
0x30: {  	[sflag:s22] =	ssyncadd.s32 $0xFFFFFF90  }
0x31: {  	[tilespmem:s25], [sflag:$0x1] =	stream.indirect.gather [hbm4b:s2+s24], $0x80, s4, s24, $0xb8;
	[tilespmem:$0x1AE00] =	vst v63  }
0x32: {  	_ =	swait.ge [sflag:s31], $0x3800  }
0x33: {  	[sflag:s31] =	ssyncset.done $0x0  }
0x34: {  	[sflag:s31] =	ssyncadd.s32 $0xFFFFC800  }
0x35: {  	[spmem:s3] =	stream.indirect.scatter.add.f32 [tilespmem:s29], [sflag:$0x3], $0x80, s28, s24, $0xb8;
	[tilespmem:$0x1AE00] =	vst v63  }
0x36: {  	_ =	swait.ge [sflag:s22], $0x3800  }
0x37: {  	[sflag:s22] =	ssyncset.done $0x0  }
0x38: {  	s10 =	rddreg [dreg:$0x9];
	[sflag:s22] =	ssyncadd.s32 $0xFFFFC800  }
.LBB2_8:
0x39: {  	s10 =	sshrl.u32 s10, $0x3  }
0x3a: {  	s11 =	sadd.s32 s5, s10  }
0x3b: {  	[tilespmem:s26], [sflag:$0x3] =	stream.linear.gather [hbm4b:s11+s4], $0x70, $0x38;
	[tilespmem:$0x1AE00] =	vst v63  }
0x3c: {  	_ =	swait.ge [sflag:s22], $0x70  }
0x3d: {  	[sflag:s22] =	ssyncset.done $0x0  }
0x3e: {  	s10 =	sadd.s32 s6, s10;
	[sflag:s22] =	ssyncadd.s32 $0xFFFFFF90  }
0x3f: {  	[tilespmem:s28], [sflag:$0x3] =	stream.linear.gather [hbm4b:s10+s4], $0x70, $0x38;
	[tilespmem:$0x1AE00] =	vst v63  }
0x40: {  	_ =	swait.ge [sflag:s22], $0x70  }
0x41: {  	[sflag:s22] =	ssyncset.done $0x0  }
0x42: {  	[sflag:s22] =	ssyncadd.s32 $0xFFFFFF90  }
0x43: {  	[tilespmem:s29], [sflag:$0x2] =	stream.indirect.gather [hbm4b:s2+s24], $0x80, s26, s24, $0xb8;
	[tilespmem:$0x1AE00] =	vst v63  }
0x44: {  	_ =	swait.ge [sflag:s30], $0x3800  }
0x45: {  	[sflag:s30] =	ssyncset.done $0x0  }
0x46: {  	[sflag:s30] =	ssyncadd.s32 $0xFFFFC800  }
0x47: {  	[spmem:s3] =	stream.indirect.scatter.add.f32 [tilespmem:s25], [sflag:$0x3], $0x80, s23, s24, $0xb8;
	[tilespmem:$0x1AE00] =	vst v63  }
0x48: {  	_ =	swait.ge [sflag:s22], $0x3800  }
0x49: {  	[sflag:s22] =	ssyncset.done $0x0  }
0x4a: {  	[sflag:s22] =	ssyncadd.s32 $0xFFFFC800  }
0x4b: {  	_ =	swait.ge [sflag:s31], $0x3800  }
0x4c: {  	[sflag:s31] =	ssyncset.done $0x0  }
0x4d: {  	[sflag:s31] =	ssyncadd.s32 $0xFFFFC800  }
0x4e: {  	[spmem:s3] =	stream.indirect.scatter.add.f32 [tilespmem:s29], [sflag:$0x3], $0x80, s28, s24, $0xb8;
	[tilespmem:$0x1AE00] =	vst v63  }
0x4f: {  	_ =	swait.ge [sflag:s22], $0x3800  }
0x50: {  	s0 =	sadd.s32 $0x1, s0;
	[sflag:s22] =	ssyncset.done $0x0  }
0x51: {  	p1 =	sne.s32 s0, s15;
	[sflag:s22] =	ssyncadd.s32 $0xFFFFC800  }
.Ltmp1:
0x52: {  	[bflag:$0x0] =	sbarrier.arrive $0xFFFF;
	(pc) =	sbr.rel @!p1 .LBB2_9-.Ltmp1, $4  }
0x53: {  	[hbm:s14], [sflag:s9] =	dma.local [spmem:s1], $0x2780  }
0x54: {  	_ =	swait.ge [sflag:s22], $0x2780  }
0x55: {  	[sflag:s22] =	ssyncset.done $0x0  }
0x56: {  	[sflag:s22] =	ssyncadd.s32 $0xFFFFD880  }
.LBB2_1:
0x57: {  	s1 =	sshrl.u32 s7, $0x3  }
0x58: {  	[spmem:s1], [sflag:s9] =	dma.local [hbm:s8], $0x2780  }
.Ltmp2:
0x59: {  	_ =	swait.ge [sflag:s22], $0x2780;
	(pc) =	sbr.rel @!p0 .LBB2_2-.Ltmp2, $3  }
0x5a: {  	[sflag:s22] =	ssyncset.done $0x0  }
0x5b: {  	[sflag:s22] =	ssyncadd.s32 $0xFFFFD880  }
0x5c: {  	[bflag:$0x0] =	sbarrier.arrive $0xFFFF;
	_ =	sdelay $0x1  }
0x5d: {  	s10 =	rddreg [dreg:$0x6]  }
0x5e: {  	[tilespmem:s4], [sflag:$0x3] =	stream.linear.gather [hbm4b:s10+s4], $0x70, $0x38;
	[tilespmem:$0x1AE00] =	vst v63  }
0x5f: {  	_ =	swait.ge [sflag:s22], $0x70  }
0x60: {  	[sflag:s22] =	ssyncset.done $0x0  }
0x61: {  	s12 =	rddreg [dreg:$0x7];
	[sflag:s22] =	ssyncadd.s32 $0xFFFFFF90  }
0x62: {  	[tilespmem:s23], [sflag:$0x3] =	stream.linear.gather [hbm4b:s12+s4], $0x70, $0x38;
	[tilespmem:$0x1AE00] =	vst v63  }
0x63: {  	_ =	swait.ge [sflag:s22], $0x70  }
0x64: {  	[sflag:s22] =	ssyncset.done $0x0  }
0x65: {  	s13 =	sadd.s32 $0xFFFFFC64, s21;
	[sflag:s22] =	ssyncadd.s32 $0xFFFFFF90  }
0x66: {  	[tilespmem:s25], [sflag:$0x1] =	stream.indirect.gather [hbm4b:s2+s24], $0x80, s4, s24, $0xb8;
	[tilespmem:$0x1AE00] =	vst v63  }
0x67: {  	s11 =	sadd.s32 $0x65AA, s13  }
0x68: {  	[tilespmem:s26], [sflag:$0x3] =	stream.linear.gather [hbm4b:s11+s4], $0x70, $0x38;
	[tilespmem:$0x1AE00] =	vst v63  }
0x69: {  	_ =	swait.ge [sflag:s22], $0x70  }
0x6a: {  	s16 =	sadd.s32 $0xFFFFFC64, s20;
	[sflag:s22] =	ssyncset.done $0x0  }
0x6b: {  	s12 =	sadd.s32 $0x65AA, s16;
	[sflag:s22] =	ssyncadd.s32 $0xFFFFFF90  }
0x6c: {  	[tilespmem:s28], [sflag:$0x3] =	stream.linear.gather [hbm4b:s12+s4], $0x70, $0x38;
	[tilespmem:$0x1AE00] =	vst v63  }
0x6d: {  	_ =	swait.ge [sflag:s22], $0x70  }
0x6e: {  	[sflag:s22] =	ssyncset.done $0x0  }
0x6f: {  	[sflag:s22] =	ssyncadd.s32 $0xFFFFFF90  }
0x70: {  	[tilespmem:s29], [sflag:$0x2] =	stream.indirect.gather [hbm4b:s2+s24], $0x80, s26, s24, $0xb8;
	[tilespmem:$0x1AE00] =	vst v63  }
0x71: {  	_ =	swait.ge [sflag:s30], $0x3800  }
0x72: {  	[sflag:s30] =	ssyncset.done $0x0  }
0x73: {  	[sflag:s30] =	ssyncadd.s32 $0xFFFFC800  }
0x74: {  	[spmem:s3] =	stream.indirect.scatter.add.f32 [tilespmem:s25], [sflag:$0x3], $0x80, s23, s24, $0xb8;
	[tilespmem:$0x1AE00] =	vst v63  }
0x75: {  	_ =	swait.ge [sflag:s22], $0x3800  }
0x76: {  	[sflag:s22] =	ssyncset.done $0x0  }
0x77: {  	s10 =	sadd.s32 $0x65B8, s13;
	[sflag:s22] =	ssyncadd.s32 $0xFFFFC800  }
0x78: {  	[tilespmem:s4], [sflag:$0x3] =	stream.linear.gather [hbm4b:s10+s4], $0x70, $0x38;
	[tilespmem:$0x1AE00] =	vst v63  }
0x79: {  	_ =	swait.ge [sflag:s22], $0x70  }
0x7a: {  	[sflag:s22] =	ssyncset.done $0x0  }
0x7b: {  	s17 =	sadd.s32 $0x65B8, s16;
	[sflag:s22] =	ssyncadd.s32 $0xFFFFFF90  }
0x7c: {  	[tilespmem:s23], [sflag:$0x3] =	stream.linear.gather [hbm4b:s17+s4], $0x70, $0x38;
	[tilespmem:$0x1AE00] =	vst v63  }
0x7d: {  	_ =	swait.ge [sflag:s22], $0x70  }
0x7e: {  	[sflag:s22] =	ssyncset.done $0x0  }
0x7f: {  	[sflag:s22] =	ssyncadd.s32 $0xFFFFFF90  }
0x80: {  	[tilespmem:s25], [sflag:$0x1] =	stream.indirect.gather [hbm4b:s2+s24], $0x80, s4, s24, $0xb8;
	[tilespmem:$0x1AE00] =	vst v63  }
0x81: {  	_ =	swait.ge [sflag:s31], $0x3800  }
0x82: {  	[sflag:s31] =	ssyncset.done $0x0  }
0x83: {  	[sflag:s31] =	ssyncadd.s32 $0xFFFFC800  }
0x84: {  	[spmem:s3] =	stream.indirect.scatter.add.f32 [tilespmem:s29], [sflag:$0x3], $0x80, s28, s24, $0xb8;
	[tilespmem:$0x1AE00] =	vst v63  }
0x85: {  	s13 =	simm.s32 $0xFFFFFC9C;
	_ =	swait.ge [sflag:s22], $0x3800  }
0x86: {  	s12 =	sadd.s32 $0xFFFFFC80, s21;
	s10 =	simm.s32 $0xFFFFFC80;
	[sflag:s22] =	ssyncset.done $0x0  }
.LBB2_6:
0x87: {  	s16 =	sadd.s32 $0x65AA, s12  }
0x88: {  	[sflag:s22] =	ssyncadd.s32 $0xFFFFC800;
	s17 =	smov.u32 s13;
	s11 =	sadd.s32 $0x1C, s13  }
0x89: {  	[tilespmem:s26], [sflag:$0x3] =	stream.linear.gather [hbm4b:s16+s4], $0x70, $0x38;
	[tilespmem:$0x1AE00] =	vst v63  }
0x8a: {  	p1 =	sne.s32 s13, $0xFFFFFFE4;
	_ =	swait.ge [sflag:s22], $0x70  }
0x8b: {  	s13 =	sadd.s32 s10, s20;
	s10 =	smov.u32 s17;
	[sflag:s22] =	ssyncset.done $0x0  }
0x8c: {  	s16 =	sadd.s32 $0x65AA, s13;
	[sflag:s22] =	ssyncadd.s32 $0xFFFFFF90  }
0x8d: {  	[tilespmem:s28], [sflag:$0x3] =	stream.linear.gather [hbm4b:s16+s4], $0x70, $0x38;
	[tilespmem:$0x1AE00] =	vst v63  }
0x8e: {  	_ =	swait.ge [sflag:s22], $0x70  }
0x8f: {  	[sflag:s22] =	ssyncset.done $0x0  }
0x90: {  	[sflag:s22] =	ssyncadd.s32 $0xFFFFFF90  }
0x91: {  	[tilespmem:s29], [sflag:$0x2] =	stream.indirect.gather [hbm4b:s2+s24], $0x80, s26, s24, $0xb8;
	[tilespmem:$0x1AE00] =	vst v63  }
0x92: {  	_ =	swait.ge [sflag:s30], $0x3800  }
0x93: {  	[sflag:s30] =	ssyncset.done $0x0  }
0x94: {  	[sflag:s30] =	ssyncadd.s32 $0xFFFFC800  }
0x95: {  	[spmem:s3] =	stream.indirect.scatter.add.f32 [tilespmem:s25], [sflag:$0x3], $0x80, s23, s24, $0xb8;
	[tilespmem:$0x1AE00] =	vst v63  }
0x96: {  	_ =	swait.ge [sflag:s22], $0x3800  }
0x97: {  	[sflag:s22] =	ssyncset.done $0x0  }
0x98: {  	s12 =	sadd.s32 $0x65B8, s12;
	[sflag:s22] =	ssyncadd.s32 $0xFFFFC800  }
0x99: {  	[tilespmem:s4], [sflag:$0x3] =	stream.linear.gather [hbm4b:s12+s4], $0x70, $0x38;
	[tilespmem:$0x1AE00] =	vst v63  }
0x9a: {  	_ =	swait.ge [sflag:s22], $0x70  }
0x9b: {  	[sflag:s22] =	ssyncset.done $0x0  }
0x9c: {  	s12 =	sadd.s32 $0x65B8, s13;
	[sflag:s22] =	ssyncadd.s32 $0xFFFFFF90  }
0x9d: {  	[tilespmem:s23], [sflag:$0x3] =	stream.linear.gather [hbm4b:s12+s4], $0x70, $0x38;
	[tilespmem:$0x1AE00] =	vst v63  }
0x9e: {  	_ =	swait.ge [sflag:s22], $0x70  }
0x9f: {  	[sflag:s22] =	ssyncset.done $0x0  }
0xa0: {  	[sflag:s22] =	ssyncadd.s32 $0xFFFFFF90  }
0xa1: {  	[tilespmem:s25], [sflag:$0x1] =	stream.indirect.gather [hbm4b:s2+s24], $0x80, s4, s24, $0xb8;
	[tilespmem:$0x1AE00] =	vst v63  }
0xa2: {  	_ =	swait.ge [sflag:s31], $0x3800  }
.Ltmp3:
0xa3: {  	[sflag:s31] =	ssyncset.done $0x0;
	(pc) =	sbr.rel @p1 .LBB2_6-.Ltmp3, $4  }
0xa4: {  	[sflag:s31] =	ssyncadd.s32 $0xFFFFC800  }
0xa5: {  	[spmem:s3] =	stream.indirect.scatter.add.f32 [tilespmem:s29], [sflag:$0x3], $0x80, s28, s24, $0xb8;
	[tilespmem:$0x1AE00] =	vst v63  }
0xa6: {  	_ =	swait.ge [sflag:s22], $0x3800  }
0xa7: {  	s13 =	smov.u32 s11;
	s12 =	sadd.s32 s10, s21;
	[sflag:s22] =	ssyncset.done $0x0  }
.Ltmp4:
0xa8: {  	_ = 	snop;
	(pc) =	sbr.rel .LBB2_7-.Ltmp4, $1  }
0xa9: {  	_ =	sdelay $0x3  }
.LBB2_2:
0xaa: {  	s10 =	rddreg [dreg:$0x4]  }
0xab: {  	[tilespmem:s4], [sflag:$0x3] =	stream.linear.gather [hbm4b:s10+s4], $0x70, $0x38;
	[tilespmem:$0x1AE00] =	vst v63  }
0xac: {  	_ =	swait.ge [sflag:s22], $0x70  }
0xad: {  	[sflag:s22] =	ssyncset.done $0x0  }
0xae: {  	s12 =	rddreg [dreg:$0x5];
	[sflag:s22] =	ssyncadd.s32 $0xFFFFFF90  }
0xaf: {  	[tilespmem:s23], [sflag:$0x3] =	stream.linear.gather [hbm4b:s12+s4], $0x70, $0x38;
	[tilespmem:$0x1AE00] =	vst v63  }
0xb0: {  	_ =	swait.ge [sflag:s22], $0x70  }
0xb1: {  	[sflag:s22] =	ssyncset.done $0x0  }
0xb2: {  	s13 =	sadd.s32 $0xFFFFF9FC, s19;
	[sflag:s22] =	ssyncadd.s32 $0xFFFFFF90  }
0xb3: {  	[tilespmem:s25], [sflag:$0x1] =	stream.indirect.gather [hbm4b:s2+s24], $0x80, s4, s24, $0xb8;
	[tilespmem:$0x1AE00] =	vst v63  }
0xb4: {  	s11 =	sadd.s32 $0x612, s13  }
0xb5: {  	[tilespmem:s26], [sflag:$0x3] =	stream.linear.gather [hbm4b:s11+s4], $0x70, $0x38;
	[tilespmem:$0x1AE00] =	vst v63  }
0xb6: {  	_ =	swait.ge [sflag:s22], $0x70  }
0xb7: {  	s16 =	sadd.s32 $0xFFFFF9FC, s18;
	[sflag:s22] =	ssyncset.done $0x0  }
0xb8: {  	s12 =	sadd.s32 $0x612, s16;
	[sflag:s22] =	ssyncadd.s32 $0xFFFFFF90  }
0xb9: {  	[tilespmem:s28], [sflag:$0x3] =	stream.linear.gather [hbm4b:s12+s4], $0x70, $0x38;
	[tilespmem:$0x1AE00] =	vst v63  }
0xba: {  	_ =	swait.ge [sflag:s22], $0x70  }
0xbb: {  	[sflag:s22] =	ssyncset.done $0x0  }
0xbc: {  	[sflag:s22] =	ssyncadd.s32 $0xFFFFFF90  }
0xbd: {  	[tilespmem:s29], [sflag:$0x2] =	stream.indirect.gather [hbm4b:s2+s24], $0x80, s26, s24, $0xb8;
	[tilespmem:$0x1AE00] =	vst v63  }
0xbe: {  	_ =	swait.ge [sflag:s30], $0x3800  }
0xbf: {  	[sflag:s30] =	ssyncset.done $0x0  }
0xc0: {  	[sflag:s30] =	ssyncadd.s32 $0xFFFFC800  }
0xc1: {  	[spmem:s3] =	stream.indirect.scatter.add.f32 [tilespmem:s25], [sflag:$0x3], $0x80, s23, s24, $0xb8;
	[tilespmem:$0x1AE00] =	vst v63  }
0xc2: {  	_ =	swait.ge [sflag:s22], $0x3800  }
0xc3: {  	[sflag:s22] =	ssyncset.done $0x0  }
0xc4: {  	s10 =	sadd.s32 $0x620, s13;
	[sflag:s22] =	ssyncadd.s32 $0xFFFFC800  }
0xc5: {  	[tilespmem:s4], [sflag:$0x3] =	stream.linear.gather [hbm4b:s10+s4], $0x70, $0x38;
	[tilespmem:$0x1AE00] =	vst v63  }
0xc6: {  	_ =	swait.ge [sflag:s22], $0x70  }
0xc7: {  	[sflag:s22] =	ssyncset.done $0x0  }
0xc8: {  	s17 =	sadd.s32 $0x620, s16;
	[sflag:s22] =	ssyncadd.s32 $0xFFFFFF90  }
0xc9: {  	[tilespmem:s23], [sflag:$0x3] =	stream.linear.gather [hbm4b:s17+s4], $0x70, $0x38;
	[tilespmem:$0x1AE00] =	vst v63  }
0xca: {  	_ =	swait.ge [sflag:s22], $0x70  }
0xcb: {  	[sflag:s22] =	ssyncset.done $0x0  }
0xcc: {  	[sflag:s22] =	ssyncadd.s32 $0xFFFFFF90  }
0xcd: {  	[tilespmem:s25], [sflag:$0x1] =	stream.indirect.gather [hbm4b:s2+s24], $0x80, s4, s24, $0xb8;
	[tilespmem:$0x1AE00] =	vst v63  }
0xce: {  	_ =	swait.ge [sflag:s31], $0x3800  }
0xcf: {  	[sflag:s31] =	ssyncset.done $0x0  }
0xd0: {  	[sflag:s31] =	ssyncadd.s32 $0xFFFFC800  }
0xd1: {  	[spmem:s3] =	stream.indirect.scatter.add.f32 [tilespmem:s29], [sflag:$0x3], $0x80, s28, s24, $0xb8;
	[tilespmem:$0x1AE00] =	vst v63  }
0xd2: {  	s11 =	simm.s32 $0xFFFFFA34;
	_ =	swait.ge [sflag:s22], $0x3800  }
0xd3: {  	s12 =	sadd.s32 $0xFFFFFA18, s19;
	s10 =	simm.s32 $0xFFFFFA18;
	[sflag:s22] =	ssyncset.done $0x0  }
.LBB2_3:
0xd4: {  	s16 =	sadd.s32 $0x612, s12  }
0xd5: {  	[sflag:s22] =	ssyncadd.s32 $0xFFFFC800;
	s17 =	smov.u32 s11;
	s13 =	sadd.s32 $0x1C, s11  }
0xd6: {  	[tilespmem:s26], [sflag:$0x3] =	stream.linear.gather [hbm4b:s16+s4], $0x70, $0x38;
	[tilespmem:$0x1AE00] =	vst v63  }
0xd7: {  	p1 =	seq.s32 s11, $0xFFFFFFE4;
	_ =	swait.ge [sflag:s22], $0x70  }
0xd8: {  	s11 =	sadd.s32 s10, s18;
	s10 =	smov.u32 s17;
	[sflag:s22] =	ssyncset.done $0x0  }
0xd9: {  	s16 =	sadd.s32 $0x612, s11;
	[sflag:s22] =	ssyncadd.s32 $0xFFFFFF90  }
0xda: {  	[tilespmem:s28], [sflag:$0x3] =	stream.linear.gather [hbm4b:s16+s4], $0x70, $0x38;
	[tilespmem:$0x1AE00] =	vst v63  }
0xdb: {  	_ =	swait.ge [sflag:s22], $0x70  }
0xdc: {  	[sflag:s22] =	ssyncset.done $0x0  }
0xdd: {  	[sflag:s22] =	ssyncadd.s32 $0xFFFFFF90  }
0xde: {  	[tilespmem:s29], [sflag:$0x2] =	stream.indirect.gather [hbm4b:s2+s24], $0x80, s26, s24, $0xb8;
	[tilespmem:$0x1AE00] =	vst v63  }
0xdf: {  	_ =	swait.ge [sflag:s30], $0x3800  }
0xe0: {  	[sflag:s30] =	ssyncset.done $0x0  }
0xe1: {  	[sflag:s30] =	ssyncadd.s32 $0xFFFFC800  }
0xe2: {  	[spmem:s3] =	stream.indirect.scatter.add.f32 [tilespmem:s25], [sflag:$0x3], $0x80, s23, s24, $0xb8;
	[tilespmem:$0x1AE00] =	vst v63  }
0xe3: {  	_ =	swait.ge [sflag:s22], $0x3800  }
0xe4: {  	[sflag:s22] =	ssyncset.done $0x0  }
0xe5: {  	s12 =	sadd.s32 $0x620, s12;
	[sflag:s22] =	ssyncadd.s32 $0xFFFFC800  }
0xe6: {  	[tilespmem:s4], [sflag:$0x3] =	stream.linear.gather [hbm4b:s12+s4], $0x70, $0x38;
	[tilespmem:$0x1AE00] =	vst v63  }
0xe7: {  	_ =	swait.ge [sflag:s22], $0x70  }
0xe8: {  	[sflag:s22] =	ssyncset.done $0x0  }
0xe9: {  	s11 =	sadd.s32 $0x620, s11;
	[sflag:s22] =	ssyncadd.s32 $0xFFFFFF90  }
0xea: {  	[tilespmem:s23], [sflag:$0x3] =	stream.linear.gather [hbm4b:s11+s4], $0x70, $0x38;
	[tilespmem:$0x1AE00] =	vst v63  }
0xeb: {  	_ =	swait.ge [sflag:s22], $0x70  }
0xec: {  	[sflag:s22] =	ssyncset.done $0x0  }
0xed: {  	[sflag:s22] =	ssyncadd.s32 $0xFFFFFF90  }
0xee: {  	[tilespmem:s25], [sflag:$0x1] =	stream.indirect.gather [hbm4b:s2+s24], $0x80, s4, s24, $0xb8;
	[tilespmem:$0x1AE00] =	vst v63  }
0xef: {  	_ =	swait.ge [sflag:s31], $0x3800  }
.Ltmp5:
0xf0: {  	[sflag:s31] =	ssyncset.done $0x0;
	(pc) =	sbr.rel @!p1 .LBB2_3-.Ltmp5, $4  }
0xf1: {  	[sflag:s31] =	ssyncadd.s32 $0xFFFFC800  }
0xf2: {  	[spmem:s3] =	stream.indirect.scatter.add.f32 [tilespmem:s29], [sflag:$0x3], $0x80, s28, s24, $0xb8;
	[tilespmem:$0x1AE00] =	vst v63  }
0xf3: {  	_ =	swait.ge [sflag:s22], $0x3800  }
0xf4: {  	s12 =	sadd.s32 s10, s19;
	s11 =	smov.u32 s13;
	[sflag:s22] =	ssyncset.done $0x0  }
0xf5: {  	s11 =	sadd.s32 $0x612, s12;
	[sflag:s22] =	ssyncadd.s32 $0xFFFFC800  }
0xf6: {  	[tilespmem:s26], [sflag:$0x3] =	stream.linear.gather [hbm4b:s11+s4], $0x70, $0x38;
	[tilespmem:$0x1AE00] =	vst v63  }
0xf7: {  	_ =	swait.ge [sflag:s22], $0x70  }
0xf8: {  	s10 =	sadd.s32 s10, s18;
	[sflag:s22] =	ssyncset.done $0x0  }
0xf9: {  	s16 =	sadd.s32 $0x612, s10;
	[sflag:s22] =	ssyncadd.s32 $0xFFFFFF90  }
0xfa: {  	[tilespmem:s28], [sflag:$0x3] =	stream.linear.gather [hbm4b:s16+s4], $0x70, $0x38;
	[tilespmem:$0x1AE00] =	vst v63  }
0xfb: {  	_ =	swait.ge [sflag:s22], $0x70  }
0xfc: {  	[sflag:s22] =	ssyncset.done $0x0  }
0xfd: {  	[sflag:s22] =	ssyncadd.s32 $0xFFFFFF90  }
0xfe: {  	[tilespmem:s29], [sflag:$0x2] =	stream.indirect.gather [hbm4b:s2+s24], $0x80, s26, s24, $0xb8;
	[tilespmem:$0x1AE00] =	vst v63  }
0xff: {  	_ =	swait.ge [sflag:s30], $0x3800  }
0x100: {  	[sflag:s30] =	ssyncset.done $0x0  }
0x101: {  	[sflag:s30] =	ssyncadd.s32 $0xFFFFC800  }
0x102: {  	[spmem:s3] =	stream.indirect.scatter.add.f32 [tilespmem:s25], [sflag:$0x3], $0x80, s23, s24, $0xb8;
	[tilespmem:$0x1AE00] =	vst v63  }
0x103: {  	_ =	swait.ge [sflag:s22], $0x3800  }
0x104: {  	[sflag:s22] =	ssyncset.done $0x0  }
0x105: {  	s17 =	sadd.s32 $0x620, s12;
	[sflag:s22] =	ssyncadd.s32 $0xFFFFC800  }
0x106: {  	[tilespmem:s4], [sflag:$0x3] =	stream.linear.gather [hbm4b:s17+s4], $0x70, $0x38;
	[tilespmem:$0x1AE00] =	vst v63  }
0x107: {  	_ =	swait.ge [sflag:s22], $0x70  }
0x108: {  	[sflag:s22] =	ssyncset.done $0x0  }
0x109: {  	s10 =	sadd.s32 $0x620, s10;
	[sflag:s22] =	ssyncadd.s32 $0xFFFFFF90  }
0x10a: {  	[tilespmem:s23], [sflag:$0x3] =	stream.linear.gather [hbm4b:s10+s4], $0x70, $0x38;
	[tilespmem:$0x1AE00] =	vst v63  }
0x10b: {  	_ =	swait.ge [sflag:s22], $0x70  }
0x10c: {  	[sflag:s22] =	ssyncset.done $0x0  }
0x10d: {  	[sflag:s22] =	ssyncadd.s32 $0xFFFFFF90  }
0x10e: {  	[tilespmem:s25], [sflag:$0x1] =	stream.indirect.gather [hbm4b:s2+s24], $0x80, s4, s24, $0xb8;
	[tilespmem:$0x1AE00] =	vst v63  }
0x10f: {  	_ =	swait.ge [sflag:s31], $0x3800  }
0x110: {  	[sflag:s31] =	ssyncset.done $0x0  }
.Ltmp6:
0x111: {  	[sflag:s31] =	ssyncadd.s32 $0xFFFFC800;
	(pc) =	sbr.rel .LBB2_8-.Ltmp6, $4  }
0x112: {  	[spmem:s3] =	stream.indirect.scatter.add.f32 [tilespmem:s29], [sflag:$0x3], $0x80, s28, s24, $0xb8;
	[tilespmem:$0x1AE00] =	vst v63  }
0x113: {  	_ =	swait.ge [sflag:s22], $0x3800  }
0x114: {  	[sflag:s22] =	ssyncset.done $0x0  }
0x115: {  	s10 =	rddreg [dreg:$0x8];
	[sflag:s22] =	ssyncadd.s32 $0xFFFFC800  }
.LBB2_9:
0x116: {  	_ =	sfence.sel $0x180000  }
0x117: {  	[bflag:$0x0] =	sbarrier.arrive $0xFFFF  }
0x118: {  	_ =	strace $0x9000004D  }
0x119: {  	s0 =	stileid.u32;
	[bflag:$0x2] =	sbarrier.arrive $0xFFFF  }
0x11a: {  	p0 =	sne.s32 s0, $0x0;
	s0 =	rddreg [dreg:$0x3]  }
0x11b: {  	s0 =	sadd.s32 @!p0 $0x100000, s0  }
0x11c: {  	[sflag:s0] =	ssyncadd.tile.s32 @!p0 $0x1;
	_ =	shalt  }
.Lfunc_end2:
_tile_overlayer_lowered:
.L_overlay_start_2:
0x11d: {  	(tag) =	ssettag $0x2  }
0x11e: {  	s0 =	rddreg [dreg:$0x0];
	s2 =	stileid.u32  }
0x11f: {  	s1 =	rddreg [dreg:$0x1];
	p0 =	sne.s32 s2, $0x0  }
0x120: {  	s3 =	rddreg [dreg:$0x2];
	[bflag:$0x3] =	sbarrier.arrive $0xFFFF;
	s2 =	simm.s32 @!p0 $0x1C03  }
0x121: {  	[timem:s3], [sflag:s2] =	dma.local @!p0 [hbm:s0], s1  }
0x122: {  	s0 =	simm.s32 @!p0 $0x3  }
0x123: {  	_ =	swait.ge @!p0 [sflag:s0], s1  }
0x124: {  	s1 =	ssub.s32 @!p0 $0x0, s1;
	[sflag:s0] =	ssyncset.done @!p0 $0x0  }
0x125: {  	[sflag:s0] =	ssyncadd.s32 @!p0 s1  }
0x126: {  	[bflag:$0x3] =	sbarrier.arrive $0xFFFF  }
0x127: {  	_ =	shalt  }

// kernel: kernel.9.cloned.1.call-start
scs
__scs_entry_jumppad:
0x0: {  	(pc) =	sbr.rel $0x88, $3  }
0x1: {  	(tag) =	ssettag $0x0;
	lr =	simm.s32 $0x1  }
0x2: {  	[smem:$0x3F99] =	sst lr;
	_ =	strace $0xD0000000  }
0x3: {  	_ = 	snop  }
0x4: {  	_ = 	snop  }
0x5: {  	_ = 	snop  }
0x6: {  	_ = 	snop  }
0x7: {  	_ = 	snop  }
__scs_overlays_trampoline_lowered:
0x8: {  	[smem:$0x3FA8] =	sst s0  }
0x9: {  	[smem:$0x3FA9] =	sst s1  }
0xa: {  	[smem:$0x3FAA] =	sst s2  }
0xb: {  	[smem:$0x3FAB] =	sst s3  }
0xc: {  	[smem:$0x3FAC] =	sst s4  }
0xd: {  	[smem:$0x3FAD] =	sst s5  }
0xe: {  	[smem:$0x3FAE] =	sst s6  }
0xf: {  	[smem:$0x3FAF] =	sst s7  }
0x10: {  	[smem:$0x3FB0] =	sst s8  }
0x11: {  	[smem:$0x3FB1] =	sst s9;
	s0 =	simm.s32 @!p0 $0x0  }
0x12: {  	s1 =	sld [smem:$0x3F97];
	s0 =	simm.s32 @p0 $0x1  }
0x13: {  	[smem:$0x3FB2] =	sst s0;
	s0 =	simm.s32 @!p1 $0x0  }
0x14: {  	s2 =	sld [smem:$0x3F96];
	s0 =	simm.s32 @p1 $0x1  }
0x15: {  	[smem:$0x3FB3] =	sst s0;
	s0 =	simm.s32 @!p2 $0x0  }
0x16: {  	s3 =	sld [smem:$0x3FDB];
	s0 =	simm.s32 @p2 $0x1  }
0x17: {  	s4 =	simm.s32 $0x1BF5;
	[smem:$0x3FB5] =	sst s0  }
0x18: {  	s0 =	sld [smem:$0x3F98];
	_ =	swait.ge [sflag:s4], $0x0  }
0x19: {  	s7 =	sld [smem:$0x3F99]  }
0x1a: {  	s8 =	sadd.s32 $0xFFFFE003, lr  }
0x1b: {  	s9 =	sadd.s32 $0xFFFFFEF7, lr;
	s5 =	simm.s32 $0xFFFFFFFF;
	p2 =	slt.u32 s8, $0xFFFFF086  }
0x1c: {  	p1 =	slt.u32 s9, $0xF7A;
	s5 =	simm.s32 @!p2 $0x0  }
0x1d: {  	s5 =	simm.s32 @p1 $0x1;
	p0 =	seq.s32 s7, s2  }
0x1e: {  	s7 =	smul.u32 @!p0 $0xF7A, s2;
	p2 =	seq.s32 @!p0 s5, $0x0  }
0x1f: {  	s9 =	smul.u32 $0xF7A, s1;
	s8 =	simm.s32 @!p0 $0x1BF5;
	p2 =	por !p2, p0  }
0x20: {  	[sflag:s8] =	ssyncset.s32 @!p0 $0xFFFFF086;
	s6 =	sadd.s32 @!p0 s3, s7;
	s7 =	simm.s32 @!p0 $0x108  }
0x21: {  	s3 =	sadd.s32 s3, s9;
	s6 =	sadd.s32 @!p0 $0x88, s6;
	s7 =	simm.s32 @p2 $0x1082  }
0x22: {  	[simem:s7], [sflag:s8] =	dma.local @!p0 [hbm:s6], $0xF7A  }
0x23: {  	s9 =	sor.u32 $0xD0000000, s2;
	s6 =	simm.s32 $0x108;
	_ =	swait.ge @!p0 [sflag:s8], $0x0  }
0x24: {  	s3 =	sadd.s32 $0x88, s3;
	s6 =	simm.s32 @!p1 $0x1082;
	[sflag:s4] =	ssyncset.s32 $0xFFFFF086  }
0x25: {  	[simem:s6], [sflag:s4] =	dma.local [hbm:s3], $0xF7A  }
0x26: {  	[smem:$0x3F99] =	sst s1;
	(tag) =	ssettag s2;
	_ =	strace s9  }
0x27: {  	s1 =	sld [smem:$0x3FA9]  }
0x28: {  	s2 =	sld [smem:$0x3FAA]  }
0x29: {  	s4 =	sld [smem:$0x3FAC]  }
0x2a: {  	p0 =	seq.s32 s5, $0x0;
	s5 =	sld [smem:$0x3FAD]  }
0x2b: {  	s6 =	sld [smem:$0x3FAE]  }
0x2c: {  	s7 =	sld [smem:$0x3FAF]  }
0x2d: {  	s3 =	simm.s32 $0x108;
	s8 =	sld [smem:$0x3FB0]  }
0x2e: {  	s3 =	simm.s32 @!p0 $0x1082;
	s9 =	sld [smem:$0x3FB1]  }
0x2f: {  	lr =	sadd.s32 s0, s3;
	s0 =	sld [smem:$0x3FA8]  }
0x30: {  	s3 =	sld [smem:$0x3FAB]  }
0x31: {  	[smem:$0x3FB4] =	sst s10  }
0x32: {  	s10 =	sld [smem:$0x3FB2];
	_ =	sdelay $0x3  }
0x33: {  	p0 =	seq.s32 s10, $0x1;
	s10 =	sld [smem:$0x3FB4];
	_ =	sdelay $0x3  }
0x34: {  	[smem:$0x3FB4] =	sst s10  }
0x35: {  	s10 =	sld [smem:$0x3FB3];
	_ =	sdelay $0x3  }
0x36: {  	p1 =	seq.s32 s10, $0x1;
	s10 =	sld [smem:$0x3FB4];
	_ =	sdelay $0x3  }
0x37: {  	[smem:$0x3FB4] =	sst s10  }
0x38: {  	s10 =	sld [smem:$0x3FB5]  }
0x39: {  	_ = 	snop;
	(pc) =	sbr.ind lr, $3  }
0x3a: {  	_ = 	snop  }
0x3b: {  	_ = 	snop  }
0x3c: {  	p2 =	seq.s32 s10, $0x1;
	s10 =	sld [smem:$0x3FB4]  }
0x3d: {  	_ =	shalt  }
0x3e: {  	_ =	shalt  }
0x3f: {  	_ =	shalt  }
0x40: {  	_ =	shalt  }
0x41: {  	_ =	shalt  }
0x42: {  	_ =	shalt  }
0x43: {  	_ =	shalt  }
0x44: {  	_ =	shalt  }
0x45: {  	_ =	shalt  }
0x46: {  	_ =	shalt  }
0x47: {  	_ =	shalt  }
0x48: {  	_ =	shalt  }
0x49: {  	_ =	shalt  }
0x4a: {  	_ =	shalt  }
0x4b: {  	_ =	shalt  }
0x4c: {  	_ =	shalt  }
0x4d: {  	_ =	shalt  }
0x4e: {  	_ =	shalt  }
0x4f: {  	_ =	shalt  }
0x50: {  	_ =	shalt  }
0x51: {  	_ =	shalt  }
0x52: {  	_ =	shalt  }
0x53: {  	_ =	shalt  }
0x54: {  	_ =	shalt  }
0x55: {  	_ =	shalt  }
0x56: {  	_ =	shalt  }
0x57: {  	_ =	shalt  }
0x58: {  	_ =	shalt  }
0x59: {  	_ =	shalt  }
0x5a: {  	_ =	shalt  }
0x5b: {  	_ =	shalt  }
0x5c: {  	_ =	shalt  }
0x5d: {  	_ =	shalt  }
0x5e: {  	_ =	shalt  }
0x5f: {  	_ =	shalt  }
0x60: {  	_ =	shalt  }
0x61: {  	_ =	shalt  }
0x62: {  	_ =	shalt  }
0x63: {  	_ =	shalt  }
0x64: {  	_ =	shalt  }
0x65: {  	_ =	shalt  }
0x66: {  	_ =	shalt  }
0x67: {  	_ =	shalt  }
0x68: {  	_ =	shalt  }
0x69: {  	_ =	shalt  }
0x6a: {  	_ =	shalt  }
0x6b: {  	_ =	shalt  }
0x6c: {  	_ =	shalt  }
0x6d: {  	_ =	shalt  }
0x6e: {  	_ =	shalt  }
0x6f: {  	_ =	shalt  }
0x70: {  	_ =	shalt  }
0x71: {  	_ =	shalt  }
0x72: {  	_ =	shalt  }
0x73: {  	_ =	shalt  }
0x74: {  	_ =	shalt  }
0x75: {  	_ =	shalt  }
0x76: {  	_ =	shalt  }
0x77: {  	_ =	shalt  }
0x78: {  	_ =	shalt  }
0x79: {  	_ =	shalt  }
0x7a: {  	_ =	shalt  }
0x7b: {  	_ =	shalt  }
0x7c: {  	_ =	shalt  }
0x7d: {  	_ =	shalt  }
0x7e: {  	_ =	shalt  }
0x7f: {  	_ =	shalt  }
0x80: {  	_ =	shalt  }
0x81: {  	_ =	shalt  }
0x82: {  	_ =	shalt  }
0x83: {  	_ =	shalt  }
0x84: {  	_ =	shalt  }
0x85: {  	_ =	shalt  }
0x86: {  	_ =	shalt  }
0x87: {  	_ =	shalt  }
.Lfunc_end0:
.L_simem_size_0:
called_computation_lowered:
.L_overlay_start_0:
0x88: {  	s2 =	sld [smem:$0x3FD9]  }
0x89: {  	s3 =	sld [smem:$0x3FFE];
	_ =	sdelay $0x1  }
0x8a: {  	s1 =	srdreg.scid  }
0x8b: {  	s0 =	sand.u32 $0x1, s1  }
0x8c: {  	s14 =	sshll.u32 s0, $0xA;
	s2 =	sadd.s32 s3, s2  }
0x8d: {  	s2 =	sadd.s32 s2, s14  }
0x8e: {  	[smem:$0x3FC0] =	sst s2  }
0x8f: {  	_ = 	snop  }
0x90: {  	s2 =	sld [smem:$0x3FD0];
	_ =	sdelay $0x2  }
0x91: {  	s15 =	simm.s32 $0xA;
	s4 =	simm.s32 $0x10  }
0x92: {  	[smem:s4], [sflag:s15] =	dma.local [hbm:s2], $0x1  }
0x93: {  	_ =	swait.eq [sflag:s15], $0x1  }
0x94: {  	[sflag:s15] =	ssyncset.done $0x0  }
0x95: {  	[sflag:s15] =	ssyncadd.s32 $0xFFFFFFFF  }
0x96: {  	s16 =	sld [smem:$0x11];
	(tm) =	ssettm $0x1  }
0x97: {  	s17 =	sld [smem:$0x3FFB];
	_ =	sdelay $0x3  }
0x98: {  	_ =	strace s17  }
0x99: {  	s3 =	sld [smem:$0x3FFC];
	_ =	sdelay $0x3  }
0x9a: {  	_ =	strace s3  }
0x9b: {  	s3 =	sld [smem:$0x3FFD];
	_ =	sdelay $0x3  }
0x9c: {  	_ =	strace s3  }
0x9d: {  	_ =	strace $0x8FFFFFFF  }
0x9e: {  	s18 =	sld [smem:$0x3FDB];
	_ =	sdelay $0x1  }
0x9f: {  	s19 =	simm.s32 $_scs_section_size  }
0xa0: {  	s5 =	simm.s32 $_size__tile_overlayer_lowered;
	s6 =	simm.s32 $_tile_overlayer_lowered  }
0xa1: {  	s22 =	simm.s32 $0x1BFF;
	s21 =	sshll.u32 s6, $0x1;
	s3 =	sadd.s32 s19, s18  }
0xa2: {  	s7 =	simm.s32 $0x0;
	s20 =	sshll.u32 s5, $0x1;
	s5 =	sadd.s32 s21, s3  }
0xa3: {  	[timem:s7], [sflag:s22] =	dma.local [hbm:s5], s20  }
0xa4: {  	_ =	swait.ge [sflag:s22], s20  }
0xa5: {  	s4 =	ssub.s32 $0x0, s20;
	[sflag:s22] =	ssyncset.done $0x0  }
0xa6: {  	[sflag:s22] =	ssyncadd.s32 s4;
	_ =	sdelay $0x1  }
0xa7: {  	s23 =	simm.s32 $0x1B8B  }
0xa8: {  	_ =	swait.ge [sflag:s23], $0x1  }
0xa9: {  	[sflag:s23] =	ssyncset.done $0x0  }
0xaa: {  	s25 =	simm.s32 $0x1B8E;
	s24 =	sld [smem:$0x3FFE];
	[sflag:s23] =	ssyncadd.s32 $0xFFFFFFFF  }
0xab: {  	s26 =	simm.s32 $execute0_lowered;
	[smem:$0x3FD2] =	sst s25  }
0xac: {  	s5 =	sshll.u32 s26, $0x1;
	_ =	strace $0x80000046;
	[dreg:$0x1] =	wrdreg $0xFFFFFFFF  }
0xad: {  	s28 =	simm.s32 $_size_execute0_lowered;
	s3 =	sadd.s32 s3, s5;
	[dreg:$0x0] =	wrdreg $0x0  }
0xae: {  	s5 =	sshll.u32 s28, $0x1;
	[dreg:$0x2] =	wrdreg s3  }
0xaf: {  	[dreg:$0x3] =	wrdreg s5  }
0xb0: {  	[dreg:$0x4] =	wrdreg $0xC0  }
0xb1: {  	_ =	task [dreg:s7], $0x5FFFF  }
0xb2: {  	[dreg:$0x1] =	wrdreg $0xFFFFFFFF  }
0xb3: {  	[dreg:$0x0] =	wrdreg $0x60  }
0xb4: {  	[dreg:$0x2] =	wrdreg s16  }
0xb5: {  	[dreg:$0x3] =	wrdreg s24  }
0xb6: {  	[dreg:$0x4] =	wrdreg $0x68000  }
0xb7: {  	[dreg:$0x5] =	wrdreg $0x9  }
0xb8: {  	_ =	task.clear_ibuf [dreg:s7], $0x6FFFF;
	_ =	strace $0x90000046  }
0xb9: {  	s29 =	simm.s32 $0x9;
	_ =	strace $0x80000048  }
0xba: {  	_ =	swait.ge [sflag:s29], $0x1  }
0xbb: {  	[sflag:s29] =	ssyncadd.s32 $0xFFFFFFFF  }
0xbc: {  	_ =	strace $0x90000048  }
0xbd: {  	_ =	sfence  }
0xbe: {  	s30 =	sld [smem:$0x0];
	_ =	sdelay $0x2  }
0xbf: {  	s31 =	sshll.u32 s1, $0xD;
	s1 =	sshrl.u32 s1, $0x2  }
0xc0: {  	s3 =	sand.u32 $0x4000, s31;
	s1 =	sadd.s32 s1, s30  }
0xc1: {  	s0 =	sor.u32 s3, s0;
	s1 =	sshll.u32 s1, $0x11  }
0xc2: {  	s0 =	sor.u32 s1, s0  }
0xc3: {  	s0 =	sadd.s32 $0x8F2B, s0  }
0xc4: {  	[sflag:s0] =	ssyncadd.remote.s32 $0x1  }
0xc5: {  	_ =	sfence.sel $0xFFFF  }
0xc6: {  	[dreg:$0x0] =	wrdreg $0xFFFFFFFF;
	(pc) =	sbr.abs _section_cstart, $3  }
0xc7: {  	[dreg:$0x1] =	wrdreg $0xFFFFFFFF  }
0xc8: {  	_ =	task.clear_ibuf [dreg:s7], $0x2FFFF;
	_ =	strace $0x9FFFFFFF  }
0xc9: {  	(tm) =	ssettm $0x7FFFFFFF  }
tec
execute0_lowered:
.L_overlay_start_1:
0x0: {  	(tag) =	ssettag $0x1  }
0x1: {  	s5 =	rddreg [dreg:$0x0]  }
0x2: {  	s6 =	rddreg [dreg:$0x1]  }
0x3: {  	s2 =	rddreg [dreg:$0x2]  }
0x4: {  	s0 =	rddreg [dreg:$0x3]  }
0x5: {  	s1 =	stileid.u32;
	s4 =	srdreg.scid  }
0x6: {  	s3 =	simm.s32 $0x0;
	s13 =	simm.s32 $0x70;
	s14 =	simm.s32 $0x1  }
0x7: {  	s15 =	simm.s32 $0x0;
	s7 =	smul.u32 $0x13C00, s1;
	s8 =	sand.u32 $0x1, s4  }
0x8: {  	[smem:$0x7FF] =	sst s3;
	s10 =	sshll.u32 s1, $0x1;
	s28 =	smul.u32 $0x4F000, s1  }
0x9: {  	s4 =	sadd.s32 $0xC800, s6;
	s31 =	sshll.u32 s1, $0x6;
	s9 =	smul.u32 $0x13C000, s8  }
0xa: {  	_ =	strace $0x80000047;
	s10 =	sor.u32 s8, s10;
	s8 =	ssub.s32 $0x2, s8  }
0xb: {  	s11 =	sshrl.u32 s7, $0x3;
	s26 =	smul.u32 $0x600, s10;
	s29 =	sshrl.u32 s8, $0x1  }
0xc: {  	s30 =	sshrl.u32 s28, $0x2;
	s10 =	simm.s32 $0x2;
	s7 =	sadd.s32 s7, s9  }
0xd: {  	s11 =	sadd.s32 s11, s6;
	s8 =	ssub.s32 s8, s29;
	s12 =	sadd.s32 s30, s2  }
0xe: {  	s9 =	simm.s32 $0x3000;
	s7 =	sshrl.u32 s7, $0x3;
	s5 =	sadd.s32 s5, s26  }
0xf: {  	s8 =	smax.u32 s8, $0x1;
	s12 =	sshrl.u32 s12, $0x3;
	s7 =	sadd.s32 s7, s6  }
0x10: {  	s6 =	sadd.s32 $0xD000, s11;
	s11 =	sor.u32 $0x1C02, s31;
	s7 =	sadd.s32 $0x34800, s7  }
.LBB2_1:
0x11: {  	[tilespmem:s9], [sflag:$0x2] =	stream.linear.gather [hbm4b:s4+s3], $0x3800, $0x38;
	[tilespmem:$0x1A400] =	vst v63  }
0x12: {  	_ =	swait.ge [sflag:s10], $0x3800  }
0x13: {  	[sflag:s10] =	ssyncset.done $0x0  }
0x14: {  	[sflag:s10] =	ssyncadd.s32 $0xFFFFC800  }
0x15: {  	[tilespmem:s3], [sflag:$0x2] =	stream.linear.gather [hbm4b:s5+s3], $0x2D00, $0x38;
	[tilespmem:$0x1A400] =	vst v63  }
0x16: {  	_ =	swait.ge [sflag:s10], $0x2D00  }
0x17: {  	[sflag:s10] =	ssyncset.done $0x0  }
0x18: {  	[sflag:s10] =	ssyncadd.s32 $0xFFFFD300  }
0x19: {  	[spmem:s12], [sflag:s11] =	dma.local [hbm:s6], $0x2780  }
0x1a: {  	_ =	swait.ge [sflag:s10], $0x2780  }
0x1b: {  	[sflag:s10] =	ssyncset.done $0x0  }
0x1c: {  	[sflag:s10] =	ssyncadd.s32 $0xFFFFD880  }
0x1d: {  	s16 =	simm.s32 $0x0;
	[bflag:$0x0] =	sbarrier.arrive $0xFFFF  }
0x1e: {  	[spmem:s2] =	stream.indirect.scatter.add.f32 [tilespmem:s9], [sflag:$0x1], $0x80, s16, s13, $0xb8;
	[tilespmem:$0x1A400] =	vst v63  }
0x1f: {  	s26 =	simm.s32 $0x80  }
0x20: {  	[spmem:s2] =	stream.indirect.scatter.add.f32 [tilespmem:s9], [sflag:$0x1], $0x80, s26, s13, $0xb8;
	[tilespmem:$0x1A400] =	vst v63  }
0x21: {  	s28 =	simm.s32 $0x100  }
0x22: {  	[spmem:s2] =	stream.indirect.scatter.add.f32 [tilespmem:s9], [sflag:$0x1], $0x80, s28, s13, $0xb8;
	[tilespmem:$0x1A400] =	vst v63  }
0x23: {  	s29 =	simm.s32 $0x180  }
0x24: {  	[spmem:s2] =	stream.indirect.scatter.add.f32 [tilespmem:s9], [sflag:$0x1], $0x80, s29, s13, $0xb8;
	[tilespmem:$0x1A400] =	vst v63  }
0x25: {  	s30 =	simm.s32 $0x200  }
0x26: {  	[spmem:s2] =	stream.indirect.scatter.add.f32 [tilespmem:s9], [sflag:$0x1], $0x80, s30, s13, $0xb8;
	[tilespmem:$0x1A400] =	vst v63  }
0x27: {  	s31 =	simm.s32 $0x280  }
0x28: {  	[spmem:s2] =	stream.indirect.scatter.add.f32 [tilespmem:s9], [sflag:$0x1], $0x80, s31, s13, $0xb8;
	[tilespmem:$0x1A400] =	vst v63  }
0x29: {  	_ =	swait.ge [sflag:s14], $0x3800  }
0x2a: {  	[sflag:s14] =	ssyncset.done $0x0  }
0x2b: {  	[sflag:s14] =	ssyncadd.s32 $0xFFFFC800  }
0x2c: {  	_ =	swait.ge [sflag:s14], $0x3800  }
0x2d: {  	[sflag:s14] =	ssyncset.done $0x0  }
0x2e: {  	[sflag:s14] =	ssyncadd.s32 $0xFFFFC800  }
0x2f: {  	_ =	swait.ge [sflag:s14], $0x3800  }
0x30: {  	[sflag:s14] =	ssyncset.done $0x0  }
0x31: {  	[sflag:s14] =	ssyncadd.s32 $0xFFFFC800  }
0x32: {  	_ =	swait.ge [sflag:s14], $0x3800  }
0x33: {  	[sflag:s14] =	ssyncset.done $0x0  }
0x34: {  	[sflag:s14] =	ssyncadd.s32 $0xFFFFC800  }
0x35: {  	_ =	swait.ge [sflag:s14], $0x3800  }
0x36: {  	[sflag:s14] =	ssyncset.done $0x0  }
0x37: {  	[sflag:s14] =	ssyncadd.s32 $0xFFFFC800  }
0x38: {  	_ =	swait.ge [sflag:s14], $0x3800  }
0x39: {  	s17 =	simm.s32 $0x1800;
	s16 =	simm.s32 $0xC00;
	[sflag:s14] =	ssyncset.done $0x0  }
.LBB2_2:
0x3a: {  	s18 =	sshra.s32 s16, $0x2  }
0x3b: {  	[sflag:s14] =	ssyncadd.s32 $0xFFFFC800;
	s16 =	smov.u32 s17;
	s19 =	sadd.s32 $0xC00, s17  }
0x3c: {  	[spmem:s2] =	stream.indirect.scatter.add.f32 [tilespmem:s9], [sflag:$0x1], $0x80, s18, s13, $0xb8;
	[tilespmem:$0x1A400] =	vst v63  }
0x3d: {  	p0 =	sne.s32 s17, $0xA800;
	s17 =	sadd.s32 $0x80, s18  }
0x3e: {  	[spmem:s2] =	stream.indirect.scatter.add.f32 [tilespmem:s9], [sflag:$0x1], $0x80, s17, s13, $0xb8;
	[tilespmem:$0x1A400] =	vst v63  }
0x3f: {  	s17 =	sadd.s32 $0x100, s18  }
0x40: {  	[spmem:s2] =	stream.indirect.scatter.add.f32 [tilespmem:s9], [sflag:$0x1], $0x80, s17, s13, $0xb8;
	[tilespmem:$0x1A400] =	vst v63  }
0x41: {  	s17 =	sadd.s32 $0x180, s18  }
0x42: {  	[spmem:s2] =	stream.indirect.scatter.add.f32 [tilespmem:s9], [sflag:$0x1], $0x80, s17, s13, $0xb8;
	[tilespmem:$0x1A400] =	vst v63  }
0x43: {  	s17 =	sadd.s32 $0x200, s18  }
0x44: {  	[spmem:s2] =	stream.indirect.scatter.add.f32 [tilespmem:s9], [sflag:$0x1], $0x80, s17, s13, $0xb8;
	[tilespmem:$0x1A400] =	vst v63  }
0x45: {  	s17 =	sadd.s32 $0x280, s18  }
0x46: {  	[spmem:s2] =	stream.indirect.scatter.add.f32 [tilespmem:s9], [sflag:$0x1], $0x80, s17, s13, $0xb8;
	[tilespmem:$0x1A400] =	vst v63  }
0x47: {  	_ =	swait.ge [sflag:s14], $0x3800  }
0x48: {  	[sflag:s14] =	ssyncset.done $0x0  }
0x49: {  	[sflag:s14] =	ssyncadd.s32 $0xFFFFC800  }
0x4a: {  	_ =	swait.ge [sflag:s14], $0x3800  }
0x4b: {  	[sflag:s14] =	ssyncset.done $0x0  }
0x4c: {  	[sflag:s14] =	ssyncadd.s32 $0xFFFFC800  }
0x4d: {  	_ =	swait.ge [sflag:s14], $0x3800  }
0x4e: {  	[sflag:s14] =	ssyncset.done $0x0  }
0x4f: {  	[sflag:s14] =	ssyncadd.s32 $0xFFFFC800  }
0x50: {  	_ =	swait.ge [sflag:s14], $0x3800  }
0x51: {  	[sflag:s14] =	ssyncset.done $0x0  }
0x52: {  	[sflag:s14] =	ssyncadd.s32 $0xFFFFC800  }
.Ltmp0:
0x53: {  	_ =	swait.ge [sflag:s14], $0x3800;
	(pc) =	sbr.rel @p0 .LBB2_2-.Ltmp0, $4  }
0x54: {  	[sflag:s14] =	ssyncset.done $0x0  }
0x55: {  	[sflag:s14] =	ssyncadd.s32 $0xFFFFC800  }
0x56: {  	_ =	swait.ge [sflag:s14], $0x3800  }
0x57: {  	s17 =	smov.u32 s19;
	[sflag:s14] =	ssyncset.done $0x0  }
0x58: {  	s16 =	sshra.s32 s16, $0x2;
	[sflag:s14] =	ssyncadd.s32 $0xFFFFC800  }
0x59: {  	[spmem:s2] =	stream.indirect.scatter.add.f32 [tilespmem:s9], [sflag:$0x1], $0x80, s16, s13, $0xb8;
	[tilespmem:$0x1A400] =	vst v63  }
0x5a: {  	s17 =	sadd.s32 $0x80, s16  }
0x5b: {  	[spmem:s2] =	stream.indirect.scatter.add.f32 [tilespmem:s9], [sflag:$0x1], $0x80, s17, s13, $0xb8;
	[tilespmem:$0x1A400] =	vst v63  }
0x5c: {  	s29 =	sadd.s32 $0x100, s16  }
0x5d: {  	[spmem:s2] =	stream.indirect.scatter.add.f32 [tilespmem:s9], [sflag:$0x1], $0x80, s29, s13, $0xb8;
	[tilespmem:$0x1A400] =	vst v63  }
0x5e: {  	s30 =	sadd.s32 $0x180, s16  }
0x5f: {  	[spmem:s2] =	stream.indirect.scatter.add.f32 [tilespmem:s9], [sflag:$0x1], $0x80, s30, s13, $0xb8;
	[tilespmem:$0x1A400] =	vst v63  }
0x60: {  	s31 =	sadd.s32 $0x200, s16  }
0x61: {  	[spmem:s2] =	stream.indirect.scatter.add.f32 [tilespmem:s9], [sflag:$0x1], $0x80, s31, s13, $0xb8;
	[tilespmem:$0x1A400] =	vst v63  }
0x62: {  	s16 =	sadd.s32 $0x280, s16  }
0x63: {  	[spmem:s2] =	stream.indirect.scatter.add.f32 [tilespmem:s9], [sflag:$0x1], $0x80, s16, s13, $0xb8;
	[tilespmem:$0x1A400] =	vst v63  }
0x64: {  	_ =	swait.ge [sflag:s14], $0x3800  }
0x65: {  	[sflag:s14] =	ssyncset.done $0x0  }
0x66: {  	[sflag:s14] =	ssyncadd.s32 $0xFFFFC800  }
0x67: {  	_ =	swait.ge [sflag:s14], $0x3800  }
0x68: {  	[sflag:s14] =	ssyncset.done $0x0  }
0x69: {  	[sflag:s14] =	ssyncadd.s32 $0xFFFFC800  }
0x6a: {  	_ =	swait.ge [sflag:s14], $0x3800  }
0x6b: {  	[sflag:s14] =	ssyncset.done $0x0  }
0x6c: {  	[sflag:s14] =	ssyncadd.s32 $0xFFFFC800  }
0x6d: {  	_ =	swait.ge [sflag:s14], $0x3800  }
0x6e: {  	[sflag:s14] =	ssyncset.done $0x0  }
0x6f: {  	[sflag:s14] =	ssyncadd.s32 $0xFFFFC800  }
0x70: {  	_ =	swait.ge [sflag:s14], $0x3800  }
0x71: {  	[sflag:s14] =	ssyncset.done $0x0  }
0x72: {  	[sflag:s14] =	ssyncadd.s32 $0xFFFFC800  }
0x73: {  	_ =	swait.ge [sflag:s14], $0x3800  }
0x74: {  	s15 =	sadd.s32 $0x1, s15;
	[sflag:s14] =	ssyncset.done $0x0  }
0x75: {  	p0 =	sne.s32 s15, s8;
	[sflag:s14] =	ssyncadd.s32 $0xFFFFC800  }
.Ltmp1:
0x76: {  	[bflag:$0x0] =	sbarrier.arrive $0xFFFF;
	(pc) =	sbr.rel @p0 .LBB2_1-.Ltmp1, $4  }
0x77: {  	[hbm:s7], [sflag:s11] =	dma.local [spmem:s12], $0x2780  }
0x78: {  	_ =	swait.ge [sflag:s10], $0x2780  }
0x79: {  	[sflag:s10] =	ssyncset.done $0x0  }
0x7a: {  	[sflag:s10] =	ssyncadd.s32 $0xFFFFD880  }
0x7b: {  	_ =	sfence.sel $0x180000  }
0x7c: {  	[bflag:$0x0] =	sbarrier.arrive $0xFFFF  }
0x7d: {  	p0 =	sne.s32 s1, $0x0;
	_ =	strace $0x90000047  }
0x7e: {  	s0 =	sadd.s32 @!p0 $0x100000, s0;
	[bflag:$0x2] =	sbarrier.arrive $0xFFFF  }
0x7f: {  	[sflag:s0] =	ssyncadd.tile.s32 @!p0 $0x1;
	_ =	shalt  }
.Lfunc_end2:
_tile_overlayer_lowered:
.L_overlay_start_2:
0x80: {  	(tag) =	ssettag $0x2  }
0x81: {  	s0 =	rddreg [dreg:$0x0];
	s2 =	stileid.u32  }
0x82: {  	s1 =	rddreg [dreg:$0x1];
	p0 =	sne.s32 s2, $0x0  }
0x83: {  	s3 =	rddreg [dreg:$0x2];
	[bflag:$0x3] =	sbarrier.arrive $0xFFFF;
	s2 =	simm.s32 @!p0 $0x1C02  }
0x84: {  	[timem:s3], [sflag:s2] =	dma.local @!p0 [hbm:s0], s1  }
0x85: {  	s0 =	simm.s32 @!p0 $0x2  }
0x86: {  	_ =	swait.ge @!p0 [sflag:s0], s1  }
0x87: {  	s1 =	ssub.s32 @!p0 $0x0, s1;
	[sflag:s0] =	ssyncset.done @!p0 $0x0  }
0x88: {  	[sflag:s0] =	ssyncadd.s32 @!p0 s1  }
0x89: {  	[bflag:$0x3] =	sbarrier.arrive $0xFFFF  }
0x8a: {  	_ =	shalt  }

</sc_bundles>
